<compile_context>
chip_gen: v7x
topology: tpu7x:2x2x1
jax: 0.10.2.dev20260603
libtpu: 0.0.44.dev20260713+nightly
codegen_flags: <defaults>
</compile_context>

<pallas_src>
import functools

import jax
import jax.numpy as jnp
from jax import lax
from jax.experimental import pallas as pl
from jax.experimental.pallas import tpu as pltpu
from jax.experimental.pallas import tpu_sc as plsc

HIDDEN = 128
EPS = 1e-12

NC, NS = 2, 16
NW = NC * NS
B_TOTAL = 4096 * 200
B_PER_W = B_TOTAL // NW
G = 128
NG = B_PER_W // G
REP = 64
NB = 4
NR = NG // NB


def _ln_body(t_ref, g_ref, b_ref, o_ref):
    t = t_ref[...]
    mean = jnp.mean(t, axis=-1, keepdims=True)
    c = t - mean
    var = jnp.mean(c * c, axis=-1, keepdims=True)
    n = c * lax.rsqrt(var + EPS) * g_ref[...] + b_ref[...]
    o_ref[...] = jnp.broadcast_to(n[None], (REP, 4, HIDDEN))


def _normed_table_rep(table, gamma, beta):
    out = pl.pallas_call(
        _ln_body,
        out_shape=jax.ShapeDtypeStruct((REP, 4, HIDDEN), jnp.float32),
    )(table, gamma.reshape(1, HIDDEN), beta.reshape(1, HIDDEN))
    return out.reshape(4 * REP, HIDDEN)


def _gather_body(idx_hbm, table_hbm, out_hbm, idx_v, rows_v, spm_table,
                 gsem, ssem, isem):
    sid = lax.axis_index("s")
    wid = sid * NC + lax.axis_index("c")
    base = wid * B_PER_W
    pltpu.sync_copy(
        table_hbm.at[pl.ds(sid * (4 * REP // NS), 4 * REP // NS)],
        spm_table.at[pl.ds(sid * (4 * REP // NS), 4 * REP // NS)])

    pltpu.sync_copy(idx_hbm.at[wid, pl.ds(0, 8)], idx_v.at[pl.ds(0, 8)])
    pltpu.async_copy(
        idx_hbm.at[wid, pl.ds(8, NG - 8)], idx_v.at[pl.ds(8, NG - 8)], isem)
    plsc.subcore_barrier()

    lanes = lax.iota(jnp.int32, 16)

    def fix_row(t):
        for c in range(8):
            sl = pl.ds(c * 16, 16)
            idx_v[t, sl] = idx_v[t, sl] + (lanes * 4 + (c % 4) * 64)

    def gstart(b, j):
        pltpu.async_copy(spm_table.at[idx_v.at[j]], rows_v.at[b], gsem.at[b])

    def gwait(b, j):
        pltpu.make_async_copy(
            spm_table.at[idx_v.at[j]], rows_v.at[b], gsem.at[b]).wait()

    def sstart(b, j):
        pltpu.async_copy(
            rows_v.at[b], out_hbm.at[pl.ds(base + j * G, G)], ssem.at[b])

    def swait(b, j):
        pltpu.make_async_copy(
            rows_v.at[b], out_hbm.at[pl.ds(base + j * G, G)], ssem.at[b]).wait()

    for b in range(NB):
        fix_row(b)
        gstart(b, b)

    pltpu.make_async_copy(
        idx_hbm.at[wid, pl.ds(8, NG - 8)], idx_v.at[pl.ds(8, NG - 8)],
        isem).wait()

    def round_(r, _):
        j0 = r * NB
        for b in range(NB):
            j = j0 + b
            fix_row(j + NB)
            gwait(b, j)
            sstart(b, j)
            swait(b, j)
            gstart(b, j + NB)
        return 0

    lax.fori_loop(0, NR - 1, round_, 0)

    j0 = (NR - 1) * NB
    for b in range(NB):
        gwait(b, j0 + b)
        sstart(b, j0 + b)
        swait(b, j0 + b)


_gather = functools.partial(
    pl.kernel,
    out_type=jax.ShapeDtypeStruct((B_TOTAL, HIDDEN), jnp.float32),
    mesh=plsc.VectorSubcoreMesh(
        core_axis_name="c", subcore_axis_name="s", num_cores=NC, num_subcores=NS
    ),
    scratch_types=[
        pltpu.VMEM((NG, G), jnp.int32),
        pltpu.VMEM((NB, G, HIDDEN), jnp.float32),
        pltpu.VMEM_SHARED((4 * REP, HIDDEN), jnp.float32),
        pltpu.SemaphoreType.DMA((NB,)),
        pltpu.SemaphoreType.DMA((NB,)),
        pltpu.SemaphoreType.DMA,
    ],
)(_gather_body)


def kernel(input_rotation, table, gamma, beta):
    table_rep = _normed_table_rep(table, gamma, beta)
    idx = input_rotation.reshape(NW, NG, G).astype(jnp.int32)
    out = _gather(idx, table_rep)
    return out.reshape(4096, 200, HIDDEN)

# --- scband reference (transcript-rebuilt; emitter-appended) ---
"""Pipeline reference for scband-rotation-embeddings-87402584473731 (READ-ONLY COPY).

The authoritative reference and input builder live on the scoring server;
editing this copy changes nothing except your own understanding.
"""

import jax, jax.numpy as jnp
import numpy as np

HIDDEN = 128
EPS = 1e-12

def setup_inputs(seed: int = 0) -> dict:
    key = jax.random.key(seed)
    k1, k2 = jax.random.split(key)
    input_rotation = jax.random.randint(k1, (4096, 200), 0, 4, dtype=jnp.int64) if jax.config.jax_enable_x64 else jax.random.randint(k1, (4096, 200), 0, 4, dtype=jnp.int32)
    table = jax.random.normal(k2, (4, HIDDEN), dtype=jnp.float32)
    gamma = jnp.ones((HIDDEN,), dtype=jnp.float32)
    beta = jnp.zeros((HIDDEN,), dtype=jnp.float32)
    return {"input_rotation": input_rotation, "table": table, "gamma": gamma, "beta": beta}

def reference(input_rotation, table, gamma, beta):
    # embedding lookup
    emb = jnp.take(table, input_rotation, axis=0)
    # LayerNorm over last dim (biased variance, matching torch)
    mean = jnp.mean(emb, axis=-1, keepdims=True)
    var = jnp.mean(jnp.square(emb - mean), axis=-1, keepdims=True)
    normed = (emb - mean) / jnp.sqrt(var + EPS)
    out = normed * gamma + beta
    # dropout is identity in eval mode
    return out

if __name__ == "__main__":
    import jax
    _d = setup_inputs()
    print(jax.jit(kernel)(*tuple(_d.values())))

</pallas_src>

<mosaic_0001>
#map = affine_map<(d0, d1) -> (0, 0, 0)>
#map1 = affine_map<(d0, d1) -> (0, 0)>
module attributes {stable_mosaic.version = 14 : i64} {
  func.func @_gather_body(%arg0: i32, %arg1: i32, %arg2: memref<32x200x128xi32, #tpu.memory_space<hbm>>, %arg3: memref<256x128xf32, #tpu.memory_space<hbm>>, %arg4: memref<819200x128xf32, #tpu.memory_space<hbm>>, %arg5: memref<200x128xi32, #tpu.memory_space<vmem>>, %arg6: memref<4x128x128xf32, #tpu.memory_space<vmem>>, %arg7: memref<256x128xf32, #tpu.memory_space<vmem_shared>>, %arg8: memref<4x!tpu.dma_semaphore, #tpu.memory_space<semaphore_mem>>, %arg9: memref<4x!tpu.dma_semaphore, #tpu.memory_space<semaphore_mem>>, %arg10: memref<!tpu.dma_semaphore, #tpu.memory_space<semaphore_mem>>) attributes {dimension_semantics = [#tpu.dimension_semantics<core_parallel>, #tpu.dimension_semantics<subcore_parallel>], iteration_bounds = array<i64: 2, 16>, scalar_prefetch = 0 : i64, scratch_operands = 6 : i64, tpu.core_type = #tpu.core_type<sc_vector_subcore>, window_params = [{transform_indices = #map}, {transform_indices = #map1}, {transform_indices = #map1}]} {
    %mul3A = arith.constant 2 : i32
    %mul3A_0 = arith.muli %arg1, %mul3A : i32
    %add3A = arith.addi %mul3A_0, %arg0 : i32
    %mul3A_1 = arith.constant 25600 : i32
    %mul3A_2 = arith.muli %add3A, %mul3A_1 : i32
    %mul3A_3 = arith.constant 16 : i32
    %mul3A_4 = arith.muli %arg1, %mul3A_3 : i32
    %mul3A_5 = arith.constant 16 : i32
    %mul3A_6 = arith.muli %arg1, %mul3A_5 : i32
    "tpu.region"() ({
      %run_scoped3A = tpu.sem_alloc : memref<!tpu.dma_semaphore, #tpu.memory_space<semaphore_mem>>
      %dma_start3A_877 = arith.constant 0 : i32
      %dma_start3A_878 = tpu.memref_slice %arg7[%mul3A_6, %dma_start3A_877] : memref<256x128xf32, #tpu.memory_space<vmem_shared>> -> memref<16x128xf32, #tpu.memory_space<vmem_shared>>
      %dma_start3A_879 = arith.constant 0 : i32
      %dma_start3A_880 = tpu.memref_slice %arg3[%mul3A_4, %dma_start3A_879] : memref<256x128xf32, #tpu.memory_space<hbm>> -> memref<16x128xf32, #tpu.memory_space<hbm>>
      tpu.enqueue_dma source(%dma_start3A_880 : memref<16x128xf32, #tpu.memory_space<hbm>>) target(%dma_start3A_878 : memref<16x128xf32, #tpu.memory_space<vmem_shared>>) target_semaphore(%run_scoped3A : memref<!tpu.dma_semaphore, #tpu.memory_space<semaphore_mem>>)
      %dma_wait3A_881 = arith.constant 0 : i32
      %dma_wait3A_882 = tpu.memref_slice %arg7[%mul3A_6, %dma_wait3A_881] : memref<256x128xf32, #tpu.memory_space<vmem_shared>> -> memref<16x128xf32, #tpu.memory_space<vmem_shared>>
      %dma_wait3A_883 = arith.constant 0 : i32
      %dma_wait3A_884 = tpu.memref_slice %arg3[%mul3A_4, %dma_wait3A_883] : memref<256x128xf32, #tpu.memory_space<hbm>> -> memref<16x128xf32, #tpu.memory_space<hbm>>
      tpu.wait_dma2 semaphore(%run_scoped3A : memref<!tpu.dma_semaphore, #tpu.memory_space<semaphore_mem>>) src(%dma_wait3A_884 : memref<16x128xf32, #tpu.memory_space<hbm>>) dst(%dma_wait3A_882 : memref<16x128xf32, #tpu.memory_space<vmem_shared>>)
      tpu.yield
    }) : () -> ()
    "tpu.region"() ({
      %run_scoped3A = tpu.sem_alloc : memref<!tpu.dma_semaphore, #tpu.memory_space<semaphore_mem>>
      %dma_start3A_877 = arith.constant 0 : i32
      %dma_start3A_878 = arith.constant 0 : i32
      %dma_start3A_879 = tpu.memref_slice %arg5[%dma_start3A_877, %dma_start3A_878] : memref<200x128xi32, #tpu.memory_space<vmem>> -> memref<8x128xi32, #tpu.memory_space<vmem>>
      %dma_start3A_880 = arith.constant 0 : i32
      %dma_start3A_881 = arith.constant 0 : i32
      %dma_start3A_882 = tpu.memref_slice %arg2[%add3A, %dma_start3A_880, %dma_start3A_881] : memref<32x200x128xi32, #tpu.memory_space<hbm>> -> memref<1x8x128xi32, #tpu.memory_space<hbm>>
      %dma_start3A_883 = tpu.memref_squeeze %dma_start3A_882 : memref<1x8x128xi32, #tpu.memory_space<hbm>> -> memref<8x128xi32, #tpu.memory_space<hbm>>
      %dma_start3A_884 = arith.constant 0 : i32
      %dma_start3A_885 = arith.constant 0 : i32
      %dma_start3A_886 = tpu.memref_slice %arg5[%dma_start3A_884, %dma_start3A_885] : memref<200x128xi32, #tpu.memory_space<vmem>> -> memref<8x128xi32, #tpu.memory_space<vmem>>
      %dma_start3A_887 = arith.constant 0 : i32
      %dma_start3A_888 = arith.constant 0 : i32
      %dma_start3A_889 = tpu.memref_slice %arg2[%add3A, %dma_start3A_887, %dma_start3A_888] : memref<32x200x128xi32, #tpu.memory_space<hbm>> -> memref<1x8x128xi32, #tpu.memory_space<hbm>>
      %dma_start3A_890 = tpu.memref_squeeze %dma_start3A_889 : memref<1x8x128xi32, #tpu.memory_space<hbm>> -> memref<8x128xi32, #tpu.memory_space<hbm>>
      tpu.enqueue_dma source(%dma_start3A_890 : memref<8x128xi32, #tpu.memory_space<hbm>>) target(%dma_start3A_886 : memref<8x128xi32, #tpu.memory_space<vmem>>) target_semaphore(%run_scoped3A : memref<!tpu.dma_semaphore, #tpu.memory_space<semaphore_mem>>)
      %dma_wait3A_891 = arith.constant 0 : i32
      %dma_wait3A_892 = arith.constant 0 : i32
      %dma_wait3A_893 = tpu.memref_slice %arg5[%dma_wait3A_891, %dma_wait3A_892] : memref<200x128xi32, #tpu.memory_space<vmem>> -> memref<8x128xi32, #tpu.memory_space<vmem>>
      %dma_wait3A_894 = arith.constant 0 : i32
      %dma_wait3A_895 = arith.constant 0 : i32
      %dma_wait3A_896 = tpu.memref_slice %arg2[%add3A, %dma_wait3A_894, %dma_wait3A_895] : memref<32x200x128xi32, #tpu.memory_space<hbm>> -> memref<1x8x128xi32, #tpu.memory_space<hbm>>
      %dma_wait3A_897 = tpu.memref_squeeze %dma_wait3A_896 : memref<1x8x128xi32, #tpu.memory_space<hbm>> -> memref<8x128xi32, #tpu.memory_space<hbm>>
      %dma_wait3A_898 = arith.constant 0 : i32
      %dma_wait3A_899 = arith.constant 0 : i32
      %dma_wait3A_900 = tpu.memref_slice %arg5[%dma_wait3A_898, %dma_wait3A_899] : memref<200x128xi32, #tpu.memory_space<vmem>> -> memref<8x128xi32, #tpu.memory_space<vmem>>
      %dma_wait3A_901 = arith.constant 0 : i32
      %dma_wait3A_902 = arith.constant 0 : i32
      %dma_wait3A_903 = tpu.memref_slice %arg2[%add3A, %dma_wait3A_901, %dma_wait3A_902] : memref<32x200x128xi32, #tpu.memory_space<hbm>> -> memref<1x8x128xi32, #tpu.memory_space<hbm>>
      %dma_wait3A_904 = tpu.memref_squeeze %dma_wait3A_903 : memref<1x8x128xi32, #tpu.memory_space<hbm>> -> memref<8x128xi32, #tpu.memory_space<hbm>>
      tpu.wait_dma2 semaphore(%run_scoped3A : memref<!tpu.dma_semaphore, #tpu.memory_space<semaphore_mem>>) src(%dma_wait3A_904 : memref<8x128xi32, #tpu.memory_space<hbm>>) dst(%dma_wait3A_900 : memref<8x128xi32, #tpu.memory_space<vmem>>)
      tpu.yield
    }) : () -> ()
    %dma_start3A = arith.constant 8 : i32
    %dma_start3A_7 = arith.constant 0 : i32
    %dma_start3A_8 = tpu.memref_slice %arg5[%dma_start3A, %dma_start3A_7] : memref<200x128xi32, #tpu.memory_space<vmem>> -> memref<192x128xi32, #tpu.memory_space<vmem>>
    %dma_start3A_9 = arith.constant 8 : i32
    %dma_start3A_10 = arith.constant 0 : i32
    %dma_start3A_11 = tpu.memref_slice %arg2[%add3A, %dma_start3A_9, %dma_start3A_10] : memref<32x200x128xi32, #tpu.memory_space<hbm>> -> memref<1x192x128xi32, #tpu.memory_space<hbm>>
    %dma_start3A_12 = tpu.memref_squeeze %dma_start3A_11 : memref<1x192x128xi32, #tpu.memory_space<hbm>> -> memref<192x128xi32, #tpu.memory_space<hbm>>
    %dma_start3A_13 = arith.constant 8 : i32
    %dma_start3A_14 = arith.constant 0 : i32
    %dma_start3A_15 = tpu.memref_slice %arg5[%dma_start3A_13, %dma_start3A_14] : memref<200x128xi32, #tpu.memory_space<vmem>> -> memref<192x128xi32, #tpu.memory_space<vmem>>
    %dma_start3A_16 = arith.constant 8 : i32
    %dma_start3A_17 = arith.constant 0 : i32
    %dma_start3A_18 = tpu.memref_slice %arg2[%add3A, %dma_start3A_16, %dma_start3A_17] : memref<32x200x128xi32, #tpu.memory_space<hbm>> -> memref<1x192x128xi32, #tpu.memory_space<hbm>>
    %dma_start3A_19 = tpu.memref_squeeze %dma_start3A_18 : memref<1x192x128xi32, #tpu.memory_space<hbm>> -> memref<192x128xi32, #tpu.memory_space<hbm>>
    tpu.enqueue_dma source(%dma_start3A_19 : memref<192x128xi32, #tpu.memory_space<hbm>>) target(%dma_start3A_15 : memref<192x128xi32, #tpu.memory_space<vmem>>) target_semaphore(%arg10 : memref<!tpu.dma_semaphore, #tpu.memory_space<semaphore_mem>>)
    %barrier3A = arith.constant 0 : index
    tpu.barrier barrier_id(%barrier3A)
    %iota3A = tpu.iota {dimensions = array<i32: 0>} : vector<16xi32>
    %get3A = arith.constant 0 : i32
    %get3A_20 = arith.index_cast %get3A : i32 to index
    %get3A_21 = arith.constant 0 : index
    %get3A_22 = tpu.vector_load %arg5[%get3A_20, %get3A_21] {strides = array<i32>} : memref<200x128xi32, #tpu.memory_space<vmem>>, vector<1x16xi32>,
    %get3A_23 = vector.shape_cast %get3A_22 : vector<1x16xi32> to vector<16xi32>
    %mul3A_24 = arith.constant 4 : i32
    %mul3A_25 = vector.broadcast %mul3A_24 : i32 to vector<16xi32>
    %mul3A_26 = arith.muli %iota3A, %mul3A_25 : vector<16xi32>
    %add3A_27 = arith.constant 0 : i32
    %add3A_28 = vector.broadcast %add3A_27 : i32 to vector<16xi32>
    %add3A_29 = arith.addi %mul3A_26, %add3A_28 : vector<16xi32>
    %add3A_30 = arith.addi %get3A_23, %add3A_29 : vector<16xi32>
    %swap3A = arith.constant 0 : i32
    %swap3A_31 = arith.index_cast %swap3A : i32 to index
    %swap3A_32 = arith.constant 0 : index
    %swap3A_33 = tpu.vector_load %arg5[%swap3A_31, %swap3A_32] {strides = array<i32>} : memref<200x128xi32, #tpu.memory_space<vmem>>, vector<1x16xi32>,
    %swap3A_34 = vector.shape_cast %swap3A_33 : vector<1x16xi32> to vector<16xi32>
    %swap3A_35 = vector.shape_cast %add3A_30 : vector<16xi32> to vector<1x16xi32>
    tpu.vector_store %arg5[%swap3A_31, %swap3A_32], %swap3A_35 {strides = array<i32>} : memref<200x128xi32, #tpu.memory_space<vmem>>, vector<1x16xi32>,
    %get3A_36 = arith.constant 0 : i32
    %get3A_37 = arith.index_cast %get3A_36 : i32 to index
    %get3A_38 = arith.constant 16 : index
    %get3A_39 = tpu.vector_load %arg5[%get3A_37, %get3A_38] {strides = array<i32>} : memref<200x128xi32, #tpu.memory_space<vmem>>, vector<1x16xi32>,
    %get3A_40 = vector.shape_cast %get3A_39 : vector<1x16xi32> to vector<16xi32>
    %mul3A_41 = arith.constant 4 : i32
    %mul3A_42 = vector.broadcast %mul3A_41 : i32 to vector<16xi32>
    %mul3A_43 = arith.muli %iota3A, %mul3A_42 : vector<16xi32>
    %add3A_44 = arith.constant 64 : i32
    %add3A_45 = vector.broadcast %add3A_44 : i32 to vector<16xi32>
    %add3A_46 = arith.addi %mul3A_43, %add3A_45 : vector<16xi32>
    %add3A_47 = arith.addi %get3A_40, %add3A_46 : vector<16xi32>
    %swap3A_48 = arith.constant 0 : i32
    %swap3A_49 = arith.index_cast %swap3A_48 : i32 to index
    %swap3A_50 = arith.constant 16 : index
    %swap3A_51 = tpu.vector_load %arg5[%swap3A_49, %swap3A_50] {strides = array<i32>} : memref<200x128xi32, #tpu.memory_space<vmem>>, vector<1x16xi32>,
    %swap3A_52 = vector.shape_cast %swap3A_51 : vector<1x16xi32> to vector<16xi32>
    %swap3A_53 = vector.shape_cast %add3A_47 : vector<16xi32> to vector<1x16xi32>
    tpu.vector_store %arg5[%swap3A_49, %swap3A_50], %swap3A_53 {strides = array<i32>} : memref<200x128xi32, #tpu.memory_space<vmem>>, vector<1x16xi32>,
    %get3A_54 = arith.constant 0 : i32
    %get3A_55 = arith.index_cast %get3A_54 : i32 to index
    %get3A_56 = arith.constant 32 : index
    %get3A_57 = tpu.vector_load %arg5[%get3A_55, %get3A_56] {strides = array<i32>} : memref<200x128xi32, #tpu.memory_space<vmem>>, vector<1x16xi32>,
    %get3A_58 = vector.shape_cast %get3A_57 : vector<1x16xi32> to vector<16xi32>
    %mul3A_59 = arith.constant 4 : i32
    %mul3A_60 = vector.broadcast %mul3A_59 : i32 to vector<16xi32>
    %mul3A_61 = arith.muli %iota3A, %mul3A_60 : vector<16xi32>
    %add3A_62 = arith.constant 128 : i32
    %add3A_63 = vector.broadcast %add3A_62 : i32 to vector<16xi32>
    %add3A_64 = arith.addi %mul3A_61, %add3A_63 : vector<16xi32>
    %add3A_65 = arith.addi %get3A_58, %add3A_64 : vector<16xi32>
    %swap3A_66 = arith.constant 0 : i32
    %swap3A_67 = arith.index_cast %swap3A_66 : i32 to index
    %swap3A_68 = arith.constant 32 : index
    %swap3A_69 = tpu.vector_load %arg5[%swap3A_67, %swap3A_68] {strides = array<i32>} : memref<200x128xi32, #tpu.memory_space<vmem>>, vector<1x16xi32>,
    %swap3A_70 = vector.shape_cast %swap3A_69 : vector<1x16xi32> to vector<16xi32>
    %swap3A_71 = vector.shape_cast %add3A_65 : vector<16xi32> to vector<1x16xi32>
    tpu.vector_store %arg5[%swap3A_67, %swap3A_68], %swap3A_71 {strides = array<i32>} : memref<200x128xi32, #tpu.memory_space<vmem>>, vector<1x16xi32>,
    %get3A_72 = arith.constant 0 : i32
    %get3A_73 = arith.index_cast %get3A_72 : i32 to index
    %get3A_74 = arith.constant 48 : index
    %get3A_75 = tpu.vector_load %arg5[%get3A_73, %get3A_74] {strides = array<i32>} : memref<200x128xi32, #tpu.memory_space<vmem>>, vector<1x16xi32>,
    %get3A_76 = vector.shape_cast %get3A_75 : vector<1x16xi32> to vector<16xi32>
    %mul3A_77 = arith.constant 4 : i32
    %mul3A_78 = vector.broadcast %mul3A_77 : i32 to vector<16xi32>
    %mul3A_79 = arith.muli %iota3A, %mul3A_78 : vector<16xi32>
    %add3A_80 = arith.constant 192 : i32
    %add3A_81 = vector.broadcast %add3A_80 : i32 to vector<16xi32>
    %add3A_82 = arith.addi %mul3A_79, %add3A_81 : vector<16xi32>
    %add3A_83 = arith.addi %get3A_76, %add3A_82 : vector<16xi32>
    %swap3A_84 = arith.constant 0 : i32
    %swap3A_85 = arith.index_cast %swap3A_84 : i32 to index
    %swap3A_86 = arith.constant 48 : index
    %swap3A_87 = tpu.vector_load %arg5[%swap3A_85, %swap3A_86] {strides = array<i32>} : memref<200x128xi32, #tpu.memory_space<vmem>>, vector<1x16xi32>,
    %swap3A_88 = vector.shape_cast %swap3A_87 : vector<1x16xi32> to vector<16xi32>
    %swap3A_89 = vector.shape_cast %add3A_83 : vector<16xi32> to vector<1x16xi32>
    tpu.vector_store %arg5[%swap3A_85, %swap3A_86], %swap3A_89 {strides = array<i32>} : memref<200x128xi32, #tpu.memory_space<vmem>>, vector<1x16xi32>,
    %get3A_90 = arith.constant 0 : i32
    %get3A_91 = arith.index_cast %get3A_90 : i32 to index
    %get3A_92 = arith.constant 64 : index
    %get3A_93 = tpu.vector_load %arg5[%get3A_91, %get3A_92] {strides = array<i32>} : memref<200x128xi32, #tpu.memory_space<vmem>>, vector<1x16xi32>,
    %get3A_94 = vector.shape_cast %get3A_93 : vector<1x16xi32> to vector<16xi32>
    %mul3A_95 = arith.constant 4 : i32
    %mul3A_96 = vector.broadcast %mul3A_95 : i32 to vector<16xi32>
    %mul3A_97 = arith.muli %iota3A, %mul3A_96 : vector<16xi32>
    %add3A_98 = arith.constant 0 : i32
    %add3A_99 = vector.broadcast %add3A_98 : i32 to vector<16xi32>
    %add3A_100 = arith.addi %mul3A_97, %add3A_99 : vector<16xi32>
    %add3A_101 = arith.addi %get3A_94, %add3A_100 : vector<16xi32>
    %swap3A_102 = arith.constant 0 : i32
    %swap3A_103 = arith.index_cast %swap3A_102 : i32 to index
    %swap3A_104 = arith.constant 64 : index
    %swap3A_105 = tpu.vector_load %arg5[%swap3A_103, %swap3A_104] {strides = array<i32>} : memref<200x128xi32, #tpu.memory_space<vmem>>, vector<1x16xi32>,
    %swap3A_106 = vector.shape_cast %swap3A_105 : vector<1x16xi32> to vector<16xi32>
    %swap3A_107 = vector.shape_cast %add3A_101 : vector<16xi32> to vector<1x16xi32>
    tpu.vector_store %arg5[%swap3A_103, %swap3A_104], %swap3A_107 {strides = array<i32>} : memref<200x128xi32, #tpu.memory_space<vmem>>, vector<1x16xi32>,
    %get3A_108 = arith.constant 0 : i32
    %get3A_109 = arith.index_cast %get3A_108 : i32 to index
    %get3A_110 = arith.constant 80 : index
    %get3A_111 = tpu.vector_load %arg5[%get3A_109, %get3A_110] {strides = array<i32>} : memref<200x128xi32, #tpu.memory_space<vmem>>, vector<1x16xi32>,
    %get3A_112 = vector.shape_cast %get3A_111 : vector<1x16xi32> to vector<16xi32>
    %mul3A_113 = arith.constant 4 : i32
    %mul3A_114 = vector.broadcast %mul3A_113 : i32 to vector<16xi32>
    %mul3A_115 = arith.muli %iota3A, %mul3A_114 : vector<16xi32>
    %add3A_116 = arith.constant 64 : i32
    %add3A_117 = vector.broadcast %add3A_116 : i32 to vector<16xi32>
    %add3A_118 = arith.addi %mul3A_115, %add3A_117 : vector<16xi32>
    %add3A_119 = arith.addi %get3A_112, %add3A_118 : vector<16xi32>
    %swap3A_120 = arith.constant 0 : i32
    %swap3A_121 = arith.index_cast %swap3A_120 : i32 to index
    %swap3A_122 = arith.constant 80 : index
    %swap3A_123 = tpu.vector_load %arg5[%swap3A_121, %swap3A_122] {strides = array<i32>} : memref<200x128xi32, #tpu.memory_space<vmem>>, vector<1x16xi32>,
    %swap3A_124 = vector.shape_cast %swap3A_123 : vector<1x16xi32> to vector<16xi32>
    %swap3A_125 = vector.shape_cast %add3A_119 : vector<16xi32> to vector<1x16xi32>
    tpu.vector_store %arg5[%swap3A_121, %swap3A_122], %swap3A_125 {strides = array<i32>} : memref<200x128xi32, #tpu.memory_space<vmem>>, vector<1x16xi32>,
    %get3A_126 = arith.constant 0 : i32
    %get3A_127 = arith.index_cast %get3A_126 : i32 to index
    %get3A_128 = arith.constant 96 : index
    %get3A_129 = tpu.vector_load %arg5[%get3A_127, %get3A_128] {strides = array<i32>} : memref<200x128xi32, #tpu.memory_space<vmem>>, vector<1x16xi32>,
    %get3A_130 = vector.shape_cast %get3A_129 : vector<1x16xi32> to vector<16xi32>
    %mul3A_131 = arith.constant 4 : i32
    %mul3A_132 = vector.broadcast %mul3A_131 : i32 to vector<16xi32>
    %mul3A_133 = arith.muli %iota3A, %mul3A_132 : vector<16xi32>
    %add3A_134 = arith.constant 128 : i32
    %add3A_135 = vector.broadcast %add3A_134 : i32 to vector<16xi32>
    %add3A_136 = arith.addi %mul3A_133, %add3A_135 : vector<16xi32>
    %add3A_137 = arith.addi %get3A_130, %add3A_136 : vector<16xi32>
    %swap3A_138 = arith.constant 0 : i32
    %swap3A_139 = arith.index_cast %swap3A_138 : i32 to index
    %swap3A_140 = arith.constant 96 : index
    %swap3A_141 = tpu.vector_load %arg5[%swap3A_139, %swap3A_140] {strides = array<i32>} : memref<200x128xi32, #tpu.memory_space<vmem>>, vector<1x16xi32>,
    %swap3A_142 = vector.shape_cast %swap3A_141 : vector<1x16xi32> to vector<16xi32>
    %swap3A_143 = vector.shape_cast %add3A_137 : vector<16xi32> to vector<1x16xi32>
    tpu.vector_store %arg5[%swap3A_139, %swap3A_140], %swap3A_143 {strides = array<i32>} : memref<200x128xi32, #tpu.memory_space<vmem>>, vector<1x16xi32>,
    %get3A_144 = arith.constant 0 : i32
    %get3A_145 = arith.index_cast %get3A_144 : i32 to index
    %get3A_146 = arith.constant 112 : index
    %get3A_147 = tpu.vector_load %arg5[%get3A_145, %get3A_146] {strides = array<i32>} : memref<200x128xi32, #tpu.memory_space<vmem>>, vector<1x16xi32>,
    %get3A_148 = vector.shape_cast %get3A_147 : vector<1x16xi32> to vector<16xi32>
    %mul3A_149 = arith.constant 4 : i32
    %mul3A_150 = vector.broadcast %mul3A_149 : i32 to vector<16xi32>
    %mul3A_151 = arith.muli %iota3A, %mul3A_150 : vector<16xi32>
    %add3A_152 = arith.constant 192 : i32
    %add3A_153 = vector.broadcast %add3A_152 : i32 to vector<16xi32>
    %add3A_154 = arith.addi %mul3A_151, %add3A_153 : vector<16xi32>
    %add3A_155 = arith.addi %get3A_148, %add3A_154 : vector<16xi32>
    %swap3A_156 = arith.constant 0 : i32
    %swap3A_157 = arith.index_cast %swap3A_156 : i32 to index
    %swap3A_158 = arith.constant 112 : index
    %swap3A_159 = tpu.vector_load %arg5[%swap3A_157, %swap3A_158] {strides = array<i32>} : memref<200x128xi32, #tpu.memory_space<vmem>>, vector<1x16xi32>,
    %swap3A_160 = vector.shape_cast %swap3A_159 : vector<1x16xi32> to vector<16xi32>
    %swap3A_161 = vector.shape_cast %add3A_155 : vector<16xi32> to vector<1x16xi32>
    tpu.vector_store %arg5[%swap3A_157, %swap3A_158], %swap3A_161 {strides = array<i32>} : memref<200x128xi32, #tpu.memory_space<vmem>>, vector<1x16xi32>,
    %dma_start3A_162 = arith.constant 0 : i32
    %dma_start3A_163 = arith.constant 0 : i32
    %dma_start3A_164 = arith.constant 0 : i32
    %dma_start3A_165 = arith.constant 0 : i32
    %dma_start3A_166 = arith.constant 0 : i32
    %dma_start3A_167 = tpu.memref_slice %arg6[%dma_start3A_163, %dma_start3A_165, %dma_start3A_166] : memref<4x128x128xf32, #tpu.memory_space<vmem>> -> memref<1x128x128xf32, #tpu.memory_space<vmem>>
    %dma_start3A_168 = tpu.memref_squeeze %dma_start3A_167 : memref<1x128x128xf32, #tpu.memory_space<vmem>> -> memref<128x128xf32, #tpu.memory_space<vmem>>
    %dma_start3A_169 = arith.constant 0 : i32
    %dma_start3A_170 = tpu.memref_slice %arg5[%dma_start3A_162, %dma_start3A_169] : memref<200x128xi32, #tpu.memory_space<vmem>> -> memref<1x128xi32, #tpu.memory_space<vmem>>
    %dma_start3A_171 = tpu.memref_squeeze %dma_start3A_170 : memref<1x128xi32, #tpu.memory_space<vmem>> -> memref<128xi32, #tpu.memory_space<vmem>>
    %dma_start3A_172 = arith.constant 0 : i32
    %dma_start3A_173 = arith.constant 0 : i32
    %dma_start3A_174 = tpu.memref_slice %arg7[%dma_start3A_172, %dma_start3A_173] : memref<256x128xf32, #tpu.memory_space<vmem_shared>> -> memref<256x128xf32, #tpu.memory_space<vmem_shared>>
    %dma_start3A_175 = tpu.memref_slice %arg8[%dma_start3A_164] : memref<4x!tpu.dma_semaphore, #tpu.memory_space<semaphore_mem>> -> memref<1x!tpu.dma_semaphore, #tpu.memory_space<semaphore_mem>>
    %dma_start3A_176 = tpu.memref_squeeze %dma_start3A_175 : memref<1x!tpu.dma_semaphore, #tpu.memory_space<semaphore_mem>> -> memref<!tpu.dma_semaphore, #tpu.memory_space<semaphore_mem>>
    tpu.enqueue_indirect_dma source(%dma_start3A_174 : memref<256x128xf32, #tpu.memory_space<vmem_shared>>) target(%dma_start3A_168 : memref<128x128xf32, #tpu.memory_space<vmem>>) offsets(%dma_start3A_171 : memref<128xi32, #tpu.memory_space<vmem>>) semaphore(%dma_start3A_176 : memref<!tpu.dma_semaphore, #tpu.memory_space<semaphore_mem>>)
    %get3A_177 = arith.constant 1 : i32
    %get3A_178 = arith.index_cast %get3A_177 : i32 to index
    %get3A_179 = arith.constant 0 : index
    %get3A_180 = tpu.vector_load %arg5[%get3A_178, %get3A_179] {strides = array<i32>} : memref<200x128xi32, #tpu.memory_space<vmem>>, vector<1x16xi32>,
    %get3A_181 = vector.shape_cast %get3A_180 : vector<1x16xi32> to vector<16xi32>
    %mul3A_182 = arith.constant 4 : i32
    %mul3A_183 = vector.broadcast %mul3A_182 : i32 to vector<16xi32>
    %mul3A_184 = arith.muli %iota3A, %mul3A_183 : vector<16xi32>
    %add3A_185 = arith.constant 0 : i32
    %add3A_186 = vector.broadcast %add3A_185 : i32 to vector<16xi32>
    %add3A_187 = arith.addi %mul3A_184, %add3A_186 : vector<16xi32>
    %add3A_188 = arith.addi %get3A_181, %add3A_187 : vector<16xi32>
    %swap3A_189 = arith.constant 1 : i32
    %swap3A_190 = arith.index_cast %swap3A_189 : i32 to index
    %swap3A_191 = arith.constant 0 : index
    %swap3A_192 = tpu.vector_load %arg5[%swap3A_190, %swap3A_191] {strides = array<i32>} : memref<200x128xi32, #tpu.memory_space<vmem>>, vector<1x16xi32>,
    %swap3A_193 = vector.shape_cast %swap3A_192 : vector<1x16xi32> to vector<16xi32>
    %swap3A_194 = vector.shape_cast %add3A_188 : vector<16xi32> to vector<1x16xi32>
    tpu.vector_store %arg5[%swap3A_190, %swap3A_191], %swap3A_194 {strides = array<i32>} : memref<200x128xi32, #tpu.memory_space<vmem>>, vector<1x16xi32>,
    %get3A_195 = arith.constant 1 : i32
    %get3A_196 = arith.index_cast %get3A_195 : i32 to index
    %get3A_197 = arith.constant 16 : index
    %get3A_198 = tpu.vector_load %arg5[%get3A_196, %get3A_197] {strides = array<i32>} : memref<200x128xi32, #tpu.memory_space<vmem>>, vector<1x16xi32>,
    %get3A_199 = vector.shape_cast %get3A_198 : vector<1x16xi32> to vector<16xi32>
    %mul3A_200 = arith.constant 4 : i32
    %mul3A_201 = vector.broadcast %mul3A_200 : i32 to vector<16xi32>
    %mul3A_202 = arith.muli %iota3A, %mul3A_201 : vector<16xi32>
    %add3A_203 = arith.constant 64 : i32
    %add3A_204 = vector.broadcast %add3A_203 : i32 to vector<16xi32>
    %add3A_205 = arith.addi %mul3A_202, %add3A_204 : vector<16xi32>
    %add3A_206 = arith.addi %get3A_199, %add3A_205 : vector<16xi32>
    %swap3A_207 = arith.constant 1 : i32
    %swap3A_208 = arith.index_cast %swap3A_207 : i32 to index
    %swap3A_209 = arith.constant 16 : index
    %swap3A_210 = tpu.vector_load %arg5[%swap3A_208, %swap3A_209] {strides = array<i32>} : memref<200x128xi32, #tpu.memory_space<vmem>>, vector<1x16xi32>,
    %swap3A_211 = vector.shape_cast %swap3A_210 : vector<1x16xi32> to vector<16xi32>
    %swap3A_212 = vector.shape_cast %add3A_206 : vector<16xi32> to vector<1x16xi32>
    tpu.vector_store %arg5[%swap3A_208, %swap3A_209], %swap3A_212 {strides = array<i32>} : memref<200x128xi32, #tpu.memory_space<vmem>>, vector<1x16xi32>,
    %get3A_213 = arith.constant 1 : i32
    %get3A_214 = arith.index_cast %get3A_213 : i32 to index
    %get3A_215 = arith.constant 32 : index
    %get3A_216 = tpu.vector_load %arg5[%get3A_214, %get3A_215] {strides = array<i32>} : memref<200x128xi32, #tpu.memory_space<vmem>>, vector<1x16xi32>,
    %get3A_217 = vector.shape_cast %get3A_216 : vector<1x16xi32> to vector<16xi32>
    %mul3A_218 = arith.constant 4 : i32
    %mul3A_219 = vector.broadcast %mul3A_218 : i32 to vector<16xi32>
    %mul3A_220 = arith.muli %iota3A, %mul3A_219 : vector<16xi32>
    %add3A_221 = arith.constant 128 : i32
    %add3A_222 = vector.broadcast %add3A_221 : i32 to vector<16xi32>
    %add3A_223 = arith.addi %mul3A_220, %add3A_222 : vector<16xi32>
    %add3A_224 = arith.addi %get3A_217, %add3A_223 : vector<16xi32>
    %swap3A_225 = arith.constant 1 : i32
    %swap3A_226 = arith.index_cast %swap3A_225 : i32 to index
    %swap3A_227 = arith.constant 32 : index
    %swap3A_228 = tpu.vector_load %arg5[%swap3A_226, %swap3A_227] {strides = array<i32>} : memref<200x128xi32, #tpu.memory_space<vmem>>, vector<1x16xi32>,
    %swap3A_229 = vector.shape_cast %swap3A_228 : vector<1x16xi32> to vector<16xi32>
    %swap3A_230 = vector.shape_cast %add3A_224 : vector<16xi32> to vector<1x16xi32>
    tpu.vector_store %arg5[%swap3A_226, %swap3A_227], %swap3A_230 {strides = array<i32>} : memref<200x128xi32, #tpu.memory_space<vmem>>, vector<1x16xi32>,
    %get3A_231 = arith.constant 1 : i32
    %get3A_232 = arith.index_cast %get3A_231 : i32 to index
    %get3A_233 = arith.constant 48 : index
    %get3A_234 = tpu.vector_load %arg5[%get3A_232, %get3A_233] {strides = array<i32>} : memref<200x128xi32, #tpu.memory_space<vmem>>, vector<1x16xi32>,
    %get3A_235 = vector.shape_cast %get3A_234 : vector<1x16xi32> to vector<16xi32>
    %mul3A_236 = arith.constant 4 : i32
    %mul3A_237 = vector.broadcast %mul3A_236 : i32 to vector<16xi32>
    %mul3A_238 = arith.muli %iota3A, %mul3A_237 : vector<16xi32>
    %add3A_239 = arith.constant 192 : i32
    %add3A_240 = vector.broadcast %add3A_239 : i32 to vector<16xi32>
    %add3A_241 = arith.addi %mul3A_238, %add3A_240 : vector<16xi32>
    %add3A_242 = arith.addi %get3A_235, %add3A_241 : vector<16xi32>
    %swap3A_243 = arith.constant 1 : i32
    %swap3A_244 = arith.index_cast %swap3A_243 : i32 to index
    %swap3A_245 = arith.constant 48 : index
    %swap3A_246 = tpu.vector_load %arg5[%swap3A_244, %swap3A_245] {strides = array<i32>} : memref<200x128xi32, #tpu.memory_space<vmem>>, vector<1x16xi32>,
    %swap3A_247 = vector.shape_cast %swap3A_246 : vector<1x16xi32> to vector<16xi32>
    %swap3A_248 = vector.shape_cast %add3A_242 : vector<16xi32> to vector<1x16xi32>
    tpu.vector_store %arg5[%swap3A_244, %swap3A_245], %swap3A_248 {strides = array<i32>} : memref<200x128xi32, #tpu.memory_space<vmem>>, vector<1x16xi32>,
    %get3A_249 = arith.constant 1 : i32
    %get3A_250 = arith.index_cast %get3A_249 : i32 to index
    %get3A_251 = arith.constant 64 : index
    %get3A_252 = tpu.vector_load %arg5[%get3A_250, %get3A_251] {strides = array<i32>} : memref<200x128xi32, #tpu.memory_space<vmem>>, vector<1x16xi32>,
    %get3A_253 = vector.shape_cast %get3A_252 : vector<1x16xi32> to vector<16xi32>
    %mul3A_254 = arith.constant 4 : i32
    %mul3A_255 = vector.broadcast %mul3A_254 : i32 to vector<16xi32>
    %mul3A_256 = arith.muli %iota3A, %mul3A_255 : vector<16xi32>
    %add3A_257 = arith.constant 0 : i32
    %add3A_258 = vector.broadcast %add3A_257 : i32 to vector<16xi32>
    %add3A_259 = arith.addi %mul3A_256, %add3A_258 : vector<16xi32>
    %add3A_260 = arith.addi %get3A_253, %add3A_259 : vector<16xi32>
    %swap3A_261 = arith.constant 1 : i32
    %swap3A_262 = arith.index_cast %swap3A_261 : i32 to index
    %swap3A_263 = arith.constant 64 : index
    %swap3A_264 = tpu.vector_load %arg5[%swap3A_262, %swap3A_263] {strides = array<i32>} : memref<200x128xi32, #tpu.memory_space<vmem>>, vector<1x16xi32>,
    %swap3A_265 = vector.shape_cast %swap3A_264 : vector<1x16xi32> to vector<16xi32>
    %swap3A_266 = vector.shape_cast %add3A_260 : vector<16xi32> to vector<1x16xi32>
    tpu.vector_store %arg5[%swap3A_262, %swap3A_263], %swap3A_266 {strides = array<i32>} : memref<200x128xi32, #tpu.memory_space<vmem>>, vector<1x16xi32>,
    %get3A_267 = arith.constant 1 : i32
    %get3A_268 = arith.index_cast %get3A_267 : i32 to index
    %get3A_269 = arith.constant 80 : index
    %get3A_270 = tpu.vector_load %arg5[%get3A_268, %get3A_269] {strides = array<i32>} : memref<200x128xi32, #tpu.memory_space<vmem>>, vector<1x16xi32>,
    %get3A_271 = vector.shape_cast %get3A_270 : vector<1x16xi32> to vector<16xi32>
    %mul3A_272 = arith.constant 4 : i32
    %mul3A_273 = vector.broadcast %mul3A_272 : i32 to vector<16xi32>
    %mul3A_274 = arith.muli %iota3A, %mul3A_273 : vector<16xi32>
    %add3A_275 = arith.constant 64 : i32
    %add3A_276 = vector.broadcast %add3A_275 : i32 to vector<16xi32>
    %add3A_277 = arith.addi %mul3A_274, %add3A_276 : vector<16xi32>
    %add3A_278 = arith.addi %get3A_271, %add3A_277 : vector<16xi32>
    %swap3A_279 = arith.constant 1 : i32
    %swap3A_280 = arith.index_cast %swap3A_279 : i32 to index
    %swap3A_281 = arith.constant 80 : index
    %swap3A_282 = tpu.vector_load %arg5[%swap3A_280, %swap3A_281] {strides = array<i32>} : memref<200x128xi32, #tpu.memory_space<vmem>>, vector<1x16xi32>,
    %swap3A_283 = vector.shape_cast %swap3A_282 : vector<1x16xi32> to vector<16xi32>
    %swap3A_284 = vector.shape_cast %add3A_278 : vector<16xi32> to vector<1x16xi32>
    tpu.vector_store %arg5[%swap3A_280, %swap3A_281], %swap3A_284 {strides = array<i32>} : memref<200x128xi32, #tpu.memory_space<vmem>>, vector<1x16xi32>,
    %get3A_285 = arith.constant 1 : i32
    %get3A_286 = arith.index_cast %get3A_285 : i32 to index
    %get3A_287 = arith.constant 96 : index
    %get3A_288 = tpu.vector_load %arg5[%get3A_286, %get3A_287] {strides = array<i32>} : memref<200x128xi32, #tpu.memory_space<vmem>>, vector<1x16xi32>,
    %get3A_289 = vector.shape_cast %get3A_288 : vector<1x16xi32> to vector<16xi32>
    %mul3A_290 = arith.constant 4 : i32
    %mul3A_291 = vector.broadcast %mul3A_290 : i32 to vector<16xi32>
    %mul3A_292 = arith.muli %iota3A, %mul3A_291 : vector<16xi32>
    %add3A_293 = arith.constant 128 : i32
    %add3A_294 = vector.broadcast %add3A_293 : i32 to vector<16xi32>
    %add3A_295 = arith.addi %mul3A_292, %add3A_294 : vector<16xi32>
    %add3A_296 = arith.addi %get3A_289, %add3A_295 : vector<16xi32>
    %swap3A_297 = arith.constant 1 : i32
    %swap3A_298 = arith.index_cast %swap3A_297 : i32 to index
    %swap3A_299 = arith.constant 96 : index
    %swap3A_300 = tpu.vector_load %arg5[%swap3A_298, %swap3A_299] {strides = array<i32>} : memref<200x128xi32, #tpu.memory_space<vmem>>, vector<1x16xi32>,
    %swap3A_301 = vector.shape_cast %swap3A_300 : vector<1x16xi32> to vector<16xi32>
    %swap3A_302 = vector.shape_cast %add3A_296 : vector<16xi32> to vector<1x16xi32>
    tpu.vector_store %arg5[%swap3A_298, %swap3A_299], %swap3A_302 {strides = array<i32>} : memref<200x128xi32, #tpu.memory_space<vmem>>, vector<1x16xi32>,
    %get3A_303 = arith.constant 1 : i32
    %get3A_304 = arith.index_cast %get3A_303 : i32 to index
    %get3A_305 = arith.constant 112 : index
    %get3A_306 = tpu.vector_load %arg5[%get3A_304, %get3A_305] {strides = array<i32>} : memref<200x128xi32, #tpu.memory_space<vmem>>, vector<1x16xi32>,
    %get3A_307 = vector.shape_cast %get3A_306 : vector<1x16xi32> to vector<16xi32>
    %mul3A_308 = arith.constant 4 : i32
    %mul3A_309 = vector.broadcast %mul3A_308 : i32 to vector<16xi32>
    %mul3A_310 = arith.muli %iota3A, %mul3A_309 : vector<16xi32>
    %add3A_311 = arith.constant 192 : i32
    %add3A_312 = vector.broadcast %add3A_311 : i32 to vector<16xi32>
    %add3A_313 = arith.addi %mul3A_310, %add3A_312 : vector<16xi32>
    %add3A_314 = arith.addi %get3A_307, %add3A_313 : vector<16xi32>
    %swap3A_315 = arith.constant 1 : i32
    %swap3A_316 = arith.index_cast %swap3A_315 : i32 to index
    %swap3A_317 = arith.constant 112 : index
    %swap3A_318 = tpu.vector_load %arg5[%swap3A_316, %swap3A_317] {strides = array<i32>} : memref<200x128xi32, #tpu.memory_space<vmem>>, vector<1x16xi32>,
    %swap3A_319 = vector.shape_cast %swap3A_318 : vector<1x16xi32> to vector<16xi32>
    %swap3A_320 = vector.shape_cast %add3A_314 : vector<16xi32> to vector<1x16xi32>
    tpu.vector_store %arg5[%swap3A_316, %swap3A_317], %swap3A_320 {strides = array<i32>} : memref<200x128xi32, #tpu.memory_space<vmem>>, vector<1x16xi32>,
    %dma_start3A_321 = arith.constant 1 : i32
    %dma_start3A_322 = arith.constant 1 : i32
    %dma_start3A_323 = arith.constant 1 : i32
    %dma_start3A_324 = arith.constant 0 : i32
    %dma_start3A_325 = arith.constant 0 : i32
    %dma_start3A_326 = tpu.memref_slice %arg6[%dma_start3A_322, %dma_start3A_324, %dma_start3A_325] : memref<4x128x128xf32, #tpu.memory_space<vmem>> -> memref<1x128x128xf32, #tpu.memory_space<vmem>>
    %dma_start3A_327 = tpu.memref_squeeze %dma_start3A_326 : memref<1x128x128xf32, #tpu.memory_space<vmem>> -> memref<128x128xf32, #tpu.memory_space<vmem>>
    %dma_start3A_328 = arith.constant 0 : i32
    %dma_start3A_329 = tpu.memref_slice %arg5[%dma_start3A_321, %dma_start3A_328] : memref<200x128xi32, #tpu.memory_space<vmem>> -> memref<1x128xi32, #tpu.memory_space<vmem>>
    %dma_start3A_330 = tpu.memref_squeeze %dma_start3A_329 : memref<1x128xi32, #tpu.memory_space<vmem>> -> memref<128xi32, #tpu.memory_space<vmem>>
    %dma_start3A_331 = arith.constant 0 : i32
    %dma_start3A_332 = arith.constant 0 : i32
    %dma_start3A_333 = tpu.memref_slice %arg7[%dma_start3A_331, %dma_start3A_332] : memref<256x128xf32, #tpu.memory_space<vmem_shared>> -> memref<256x128xf32, #tpu.memory_space<vmem_shared>>
    %dma_start3A_334 = tpu.memref_slice %arg8[%dma_start3A_323] : memref<4x!tpu.dma_semaphore, #tpu.memory_space<semaphore_mem>> -> memref<1x!tpu.dma_semaphore, #tpu.memory_space<semaphore_mem>>
    %dma_start3A_335 = tpu.memref_squeeze %dma_start3A_334 : memref<1x!tpu.dma_semaphore, #tpu.memory_space<semaphore_mem>> -> memref<!tpu.dma_semaphore, #tpu.memory_space<semaphore_mem>>
    tpu.enqueue_indirect_dma source(%dma_start3A_333 : memref<256x128xf32, #tpu.memory_space<vmem_shared>>) target(%dma_start3A_327 : memref<128x128xf32, #tpu.memory_space<vmem>>) offsets(%dma_start3A_330 : memref<128xi32, #tpu.memory_space<vmem>>) semaphore(%dma_start3A_335 : memref<!tpu.dma_semaphore, #tpu.memory_space<semaphore_mem>>)
    %get3A_336 = arith.constant 2 : i32
    %get3A_337 = arith.index_cast %get3A_336 : i32 to index
    %get3A_338 = arith.constant 0 : index
    %get3A_339 = tpu.vector_load %arg5[%get3A_337, %get3A_338] {strides = array<i32>} : memref<200x128xi32, #tpu.memory_space<vmem>>, vector<1x16xi32>,
    %get3A_340 = vector.shape_cast %get3A_339 : vector<1x16xi32> to vector<16xi32>
    %mul3A_341 = arith.constant 4 : i32
    %mul3A_342 = vector.broadcast %mul3A_341 : i32 to vector<16xi32>
    %mul3A_343 = arith.muli %iota3A, %mul3A_342 : vector<16xi32>
    %add3A_344 = arith.constant 0 : i32
    %add3A_345 = vector.broadcast %add3A_344 : i32 to vector<16xi32>
    %add3A_346 = arith.addi %mul3A_343, %add3A_345 : vector<16xi32>
    %add3A_347 = arith.addi %get3A_340, %add3A_346 : vector<16xi32>
    %swap3A_348 = arith.constant 2 : i32
    %swap3A_349 = arith.index_cast %swap3A_348 : i32 to index
    %swap3A_350 = arith.constant 0 : index
    %swap3A_351 = tpu.vector_load %arg5[%swap3A_349, %swap3A_350] {strides = array<i32>} : memref<200x128xi32, #tpu.memory_space<vmem>>, vector<1x16xi32>,
    %swap3A_352 = vector.shape_cast %swap3A_351 : vector<1x16xi32> to vector<16xi32>
    %swap3A_353 = vector.shape_cast %add3A_347 : vector<16xi32> to vector<1x16xi32>
    tpu.vector_store %arg5[%swap3A_349, %swap3A_350], %swap3A_353 {strides = array<i32>} : memref<200x128xi32, #tpu.memory_space<vmem>>, vector<1x16xi32>,
    %get3A_354 = arith.constant 2 : i32
    %get3A_355 = arith.index_cast %get3A_354 : i32 to index
    %get3A_356 = arith.constant 16 : index
    %get3A_357 = tpu.vector_load %arg5[%get3A_355, %get3A_356] {strides = array<i32>} : memref<200x128xi32, #tpu.memory_space<vmem>>, vector<1x16xi32>,
    %get3A_358 = vector.shape_cast %get3A_357 : vector<1x16xi32> to vector<16xi32>
    %mul3A_359 = arith.constant 4 : i32
    %mul3A_360 = vector.broadcast %mul3A_359 : i32 to vector<16xi32>
    %mul3A_361 = arith.muli %iota3A, %mul3A_360 : vector<16xi32>
    %add3A_362 = arith.constant 64 : i32
    %add3A_363 = vector.broadcast %add3A_362 : i32 to vector<16xi32>
    %add3A_364 = arith.addi %mul3A_361, %add3A_363 : vector<16xi32>
    %add3A_365 = arith.addi %get3A_358, %add3A_364 : vector<16xi32>
    %swap3A_366 = arith.constant 2 : i32
    %swap3A_367 = arith.index_cast %swap3A_366 : i32 to index
    %swap3A_368 = arith.constant 16 : index
    %swap3A_369 = tpu.vector_load %arg5[%swap3A_367, %swap3A_368] {strides = array<i32>} : memref<200x128xi32, #tpu.memory_space<vmem>>, vector<1x16xi32>,
    %swap3A_370 = vector.shape_cast %swap3A_369 : vector<1x16xi32> to vector<16xi32>
    %swap3A_371 = vector.shape_cast %add3A_365 : vector<16xi32> to vector<1x16xi32>
    tpu.vector_store %arg5[%swap3A_367, %swap3A_368], %swap3A_371 {strides = array<i32>} : memref<200x128xi32, #tpu.memory_space<vmem>>, vector<1x16xi32>,
    %get3A_372 = arith.constant 2 : i32
    %get3A_373 = arith.index_cast %get3A_372 : i32 to index
    %get3A_374 = arith.constant 32 : index
    %get3A_375 = tpu.vector_load %arg5[%get3A_373, %get3A_374] {strides = array<i32>} : memref<200x128xi32, #tpu.memory_space<vmem>>, vector<1x16xi32>,
    %get3A_376 = vector.shape_cast %get3A_375 : vector<1x16xi32> to vector<16xi32>
    %mul3A_377 = arith.constant 4 : i32
    %mul3A_378 = vector.broadcast %mul3A_377 : i32 to vector<16xi32>
    %mul3A_379 = arith.muli %iota3A, %mul3A_378 : vector<16xi32>
    %add3A_380 = arith.constant 128 : i32
    %add3A_381 = vector.broadcast %add3A_380 : i32 to vector<16xi32>
    %add3A_382 = arith.addi %mul3A_379, %add3A_381 : vector<16xi32>
    %add3A_383 = arith.addi %get3A_376, %add3A_382 : vector<16xi32>
    %swap3A_384 = arith.constant 2 : i32
    %swap3A_385 = arith.index_cast %swap3A_384 : i32 to index
    %swap3A_386 = arith.constant 32 : index
    %swap3A_387 = tpu.vector_load %arg5[%swap3A_385, %swap3A_386] {strides = array<i32>} : memref<200x128xi32, #tpu.memory_space<vmem>>, vector<1x16xi32>,
    %swap3A_388 = vector.shape_cast %swap3A_387 : vector<1x16xi32> to vector<16xi32>
    %swap3A_389 = vector.shape_cast %add3A_383 : vector<16xi32> to vector<1x16xi32>
    tpu.vector_store %arg5[%swap3A_385, %swap3A_386], %swap3A_389 {strides = array<i32>} : memref<200x128xi32, #tpu.memory_space<vmem>>, vector<1x16xi32>,
    %get3A_390 = arith.constant 2 : i32
    %get3A_391 = arith.index_cast %get3A_390 : i32 to index
    %get3A_392 = arith.constant 48 : index
    %get3A_393 = tpu.vector_load %arg5[%get3A_391, %get3A_392] {strides = array<i32>} : memref<200x128xi32, #tpu.memory_space<vmem>>, vector<1x16xi32>,
    %get3A_394 = vector.shape_cast %get3A_393 : vector<1x16xi32> to vector<16xi32>
    %mul3A_395 = arith.constant 4 : i32
    %mul3A_396 = vector.broadcast %mul3A_395 : i32 to vector<16xi32>
    %mul3A_397 = arith.muli %iota3A, %mul3A_396 : vector<16xi32>
    %add3A_398 = arith.constant 192 : i32
    %add3A_399 = vector.broadcast %add3A_398 : i32 to vector<16xi32>
    %add3A_400 = arith.addi %mul3A_397, %add3A_399 : vector<16xi32>
    %add3A_401 = arith.addi %get3A_394, %add3A_400 : vector<16xi32>
    %swap3A_402 = arith.constant 2 : i32
    %swap3A_403 = arith.index_cast %swap3A_402 : i32 to index
    %swap3A_404 = arith.constant 48 : index
    %swap3A_405 = tpu.vector_load %arg5[%swap3A_403, %swap3A_404] {strides = array<i32>} : memref<200x128xi32, #tpu.memory_space<vmem>>, vector<1x16xi32>,
    %swap3A_406 = vector.shape_cast %swap3A_405 : vector<1x16xi32> to vector<16xi32>
    %swap3A_407 = vector.shape_cast %add3A_401 : vector<16xi32> to vector<1x16xi32>
    tpu.vector_store %arg5[%swap3A_403, %swap3A_404], %swap3A_407 {strides = array<i32>} : memref<200x128xi32, #tpu.memory_space<vmem>>, vector<1x16xi32>,
    %get3A_408 = arith.constant 2 : i32
    %get3A_409 = arith.index_cast %get3A_408 : i32 to index
    %get3A_410 = arith.constant 64 : index
    %get3A_411 = tpu.vector_load %arg5[%get3A_409, %get3A_410] {strides = array<i32>} : memref<200x128xi32, #tpu.memory_space<vmem>>, vector<1x16xi32>,
    %get3A_412 = vector.shape_cast %get3A_411 : vector<1x16xi32> to vector<16xi32>
    %mul3A_413 = arith.constant 4 : i32
    %mul3A_414 = vector.broadcast %mul3A_413 : i32 to vector<16xi32>
    %mul3A_415 = arith.muli %iota3A, %mul3A_414 : vector<16xi32>
    %add3A_416 = arith.constant 0 : i32
    %add3A_417 = vector.broadcast %add3A_416 : i32 to vector<16xi32>
    %add3A_418 = arith.addi %mul3A_415, %add3A_417 : vector<16xi32>
    %add3A_419 = arith.addi %get3A_412, %add3A_418 : vector<16xi32>
    %swap3A_420 = arith.constant 2 : i32
    %swap3A_421 = arith.index_cast %swap3A_420 : i32 to index
    %swap3A_422 = arith.constant 64 : index
    %swap3A_423 = tpu.vector_load %arg5[%swap3A_421, %swap3A_422] {strides = array<i32>} : memref<200x128xi32, #tpu.memory_space<vmem>>, vector<1x16xi32>,
    %swap3A_424 = vector.shape_cast %swap3A_423 : vector<1x16xi32> to vector<16xi32>
    %swap3A_425 = vector.shape_cast %add3A_419 : vector<16xi32> to vector<1x16xi32>
    tpu.vector_store %arg5[%swap3A_421, %swap3A_422], %swap3A_425 {strides = array<i32>} : memref<200x128xi32, #tpu.memory_space<vmem>>, vector<1x16xi32>,
    %get3A_426 = arith.constant 2 : i32
    %get3A_427 = arith.index_cast %get3A_426 : i32 to index
    %get3A_428 = arith.constant 80 : index
    %get3A_429 = tpu.vector_load %arg5[%get3A_427, %get3A_428] {strides = array<i32>} : memref<200x128xi32, #tpu.memory_space<vmem>>, vector<1x16xi32>,
    %get3A_430 = vector.shape_cast %get3A_429 : vector<1x16xi32> to vector<16xi32>
    %mul3A_431 = arith.constant 4 : i32
    %mul3A_432 = vector.broadcast %mul3A_431 : i32 to vector<16xi32>
    %mul3A_433 = arith.muli %iota3A, %mul3A_432 : vector<16xi32>
    %add3A_434 = arith.constant 64 : i32
    %add3A_435 = vector.broadcast %add3A_434 : i32 to vector<16xi32>
    %add3A_436 = arith.addi %mul3A_433, %add3A_435 : vector<16xi32>
    %add3A_437 = arith.addi %get3A_430, %add3A_436 : vector<16xi32>
    %swap3A_438 = arith.constant 2 : i32
    %swap3A_439 = arith.index_cast %swap3A_438 : i32 to index
    %swap3A_440 = arith.constant 80 : index
    %swap3A_441 = tpu.vector_load %arg5[%swap3A_439, %swap3A_440] {strides = array<i32>} : memref<200x128xi32, #tpu.memory_space<vmem>>, vector<1x16xi32>,
    %swap3A_442 = vector.shape_cast %swap3A_441 : vector<1x16xi32> to vector<16xi32>
    %swap3A_443 = vector.shape_cast %add3A_437 : vector<16xi32> to vector<1x16xi32>
    tpu.vector_store %arg5[%swap3A_439, %swap3A_440], %swap3A_443 {strides = array<i32>} : memref<200x128xi32, #tpu.memory_space<vmem>>, vector<1x16xi32>,
    %get3A_444 = arith.constant 2 : i32
    %get3A_445 = arith.index_cast %get3A_444 : i32 to index
    %get3A_446 = arith.constant 96 : index
    %get3A_447 = tpu.vector_load %arg5[%get3A_445, %get3A_446] {strides = array<i32>} : memref<200x128xi32, #tpu.memory_space<vmem>>, vector<1x16xi32>,
    %get3A_448 = vector.shape_cast %get3A_447 : vector<1x16xi32> to vector<16xi32>
    %mul3A_449 = arith.constant 4 : i32
    %mul3A_450 = vector.broadcast %mul3A_449 : i32 to vector<16xi32>
    %mul3A_451 = arith.muli %iota3A, %mul3A_450 : vector<16xi32>
    %add3A_452 = arith.constant 128 : i32
    %add3A_453 = vector.broadcast %add3A_452 : i32 to vector<16xi32>
    %add3A_454 = arith.addi %mul3A_451, %add3A_453 : vector<16xi32>
    %add3A_455 = arith.addi %get3A_448, %add3A_454 : vector<16xi32>
    %swap3A_456 = arith.constant 2 : i32
    %swap3A_457 = arith.index_cast %swap3A_456 : i32 to index
    %swap3A_458 = arith.constant 96 : index
    %swap3A_459 = tpu.vector_load %arg5[%swap3A_457, %swap3A_458] {strides = array<i32>} : memref<200x128xi32, #tpu.memory_space<vmem>>, vector<1x16xi32>,
    %swap3A_460 = vector.shape_cast %swap3A_459 : vector<1x16xi32> to vector<16xi32>
    %swap3A_461 = vector.shape_cast %add3A_455 : vector<16xi32> to vector<1x16xi32>
    tpu.vector_store %arg5[%swap3A_457, %swap3A_458], %swap3A_461 {strides = array<i32>} : memref<200x128xi32, #tpu.memory_space<vmem>>, vector<1x16xi32>,
    %get3A_462 = arith.constant 2 : i32
    %get3A_463 = arith.index_cast %get3A_462 : i32 to index
    %get3A_464 = arith.constant 112 : index
    %get3A_465 = tpu.vector_load %arg5[%get3A_463, %get3A_464] {strides = array<i32>} : memref<200x128xi32, #tpu.memory_space<vmem>>, vector<1x16xi32>,
    %get3A_466 = vector.shape_cast %get3A_465 : vector<1x16xi32> to vector<16xi32>
    %mul3A_467 = arith.constant 4 : i32
    %mul3A_468 = vector.broadcast %mul3A_467 : i32 to vector<16xi32>
    %mul3A_469 = arith.muli %iota3A, %mul3A_468 : vector<16xi32>
    %add3A_470 = arith.constant 192 : i32
    %add3A_471 = vector.broadcast %add3A_470 : i32 to vector<16xi32>
    %add3A_472 = arith.addi %mul3A_469, %add3A_471 : vector<16xi32>
    %add3A_473 = arith.addi %get3A_466, %add3A_472 : vector<16xi32>
    %swap3A_474 = arith.constant 2 : i32
    %swap3A_475 = arith.index_cast %swap3A_474 : i32 to index
    %swap3A_476 = arith.constant 112 : index
    %swap3A_477 = tpu.vector_load %arg5[%swap3A_475, %swap3A_476] {strides = array<i32>} : memref<200x128xi32, #tpu.memory_space<vmem>>, vector<1x16xi32>,
    %swap3A_478 = vector.shape_cast %swap3A_477 : vector<1x16xi32> to vector<16xi32>
    %swap3A_479 = vector.shape_cast %add3A_473 : vector<16xi32> to vector<1x16xi32>
    tpu.vector_store %arg5[%swap3A_475, %swap3A_476], %swap3A_479 {strides = array<i32>} : memref<200x128xi32, #tpu.memory_space<vmem>>, vector<1x16xi32>,
    %dma_start3A_480 = arith.constant 2 : i32
    %dma_start3A_481 = arith.constant 2 : i32
    %dma_start3A_482 = arith.constant 2 : i32
    %dma_start3A_483 = arith.constant 0 : i32
    %dma_start3A_484 = arith.constant 0 : i32
    %dma_start3A_485 = tpu.memref_slice %arg6[%dma_start3A_481, %dma_start3A_483, %dma_start3A_484] : memref<4x128x128xf32, #tpu.memory_space<vmem>> -> memref<1x128x128xf32, #tpu.memory_space<vmem>>
    %dma_start3A_486 = tpu.memref_squeeze %dma_start3A_485 : memref<1x128x128xf32, #tpu.memory_space<vmem>> -> memref<128x128xf32, #tpu.memory_space<vmem>>
    %dma_start3A_487 = arith.constant 0 : i32
    %dma_start3A_488 = tpu.memref_slice %arg5[%dma_start3A_480, %dma_start3A_487] : memref<200x128xi32, #tpu.memory_space<vmem>> -> memref<1x128xi32, #tpu.memory_space<vmem>>
    %dma_start3A_489 = tpu.memref_squeeze %dma_start3A_488 : memref<1x128xi32, #tpu.memory_space<vmem>> -> memref<128xi32, #tpu.memory_space<vmem>>
    %dma_start3A_490 = arith.constant 0 : i32
    %dma_start3A_491 = arith.constant 0 : i32
    %dma_start3A_492 = tpu.memref_slice %arg7[%dma_start3A_490, %dma_start3A_491] : memref<256x128xf32, #tpu.memory_space<vmem_shared>> -> memref<256x128xf32, #tpu.memory_space<vmem_shared>>
    %dma_start3A_493 = tpu.memref_slice %arg8[%dma_start3A_482] : memref<4x!tpu.dma_semaphore, #tpu.memory_space<semaphore_mem>> -> memref<1x!tpu.dma_semaphore, #tpu.memory_space<semaphore_mem>>
    %dma_start3A_494 = tpu.memref_squeeze %dma_start3A_493 : memref<1x!tpu.dma_semaphore, #tpu.memory_space<semaphore_mem>> -> memref<!tpu.dma_semaphore, #tpu.memory_space<semaphore_mem>>
    tpu.enqueue_indirect_dma source(%dma_start3A_492 : memref<256x128xf32, #tpu.memory_space<vmem_shared>>) target(%dma_start3A_486 : memref<128x128xf32, #tpu.memory_space<vmem>>) offsets(%dma_start3A_489 : memref<128xi32, #tpu.memory_space<vmem>>) semaphore(%dma_start3A_494 : memref<!tpu.dma_semaphore, #tpu.memory_space<semaphore_mem>>)
    %get3A_495 = arith.constant 3 : i32
    %get3A_496 = arith.index_cast %get3A_495 : i32 to index
    %get3A_497 = arith.constant 0 : index
    %get3A_498 = tpu.vector_load %arg5[%get3A_496, %get3A_497] {strides = array<i32>} : memref<200x128xi32, #tpu.memory_space<vmem>>, vector<1x16xi32>,
    %get3A_499 = vector.shape_cast %get3A_498 : vector<1x16xi32> to vector<16xi32>
    %mul3A_500 = arith.constant 4 : i32
    %mul3A_501 = vector.broadcast %mul3A_500 : i32 to vector<16xi32>
    %mul3A_502 = arith.muli %iota3A, %mul3A_501 : vector<16xi32>
    %add3A_503 = arith.constant 0 : i32
    %add3A_504 = vector.broadcast %add3A_503 : i32 to vector<16xi32>
    %add3A_505 = arith.addi %mul3A_502, %add3A_504 : vector<16xi32>
    %add3A_506 = arith.addi %get3A_499, %add3A_505 : vector<16xi32>
    %swap3A_507 = arith.constant 3 : i32
    %swap3A_508 = arith.index_cast %swap3A_507 : i32 to index
    %swap3A_509 = arith.constant 0 : index
    %swap3A_510 = tpu.vector_load %arg5[%swap3A_508, %swap3A_509] {strides = array<i32>} : memref<200x128xi32, #tpu.memory_space<vmem>>, vector<1x16xi32>,
    %swap3A_511 = vector.shape_cast %swap3A_510 : vector<1x16xi32> to vector<16xi32>
    %swap3A_512 = vector.shape_cast %add3A_506 : vector<16xi32> to vector<1x16xi32>
    tpu.vector_store %arg5[%swap3A_508, %swap3A_509], %swap3A_512 {strides = array<i32>} : memref<200x128xi32, #tpu.memory_space<vmem>>, vector<1x16xi32>,
    %get3A_513 = arith.constant 3 : i32
    %get3A_514 = arith.index_cast %get3A_513 : i32 to index
    %get3A_515 = arith.constant 16 : index
    %get3A_516 = tpu.vector_load %arg5[%get3A_514, %get3A_515] {strides = array<i32>} : memref<200x128xi32, #tpu.memory_space<vmem>>, vector<1x16xi32>,
    %get3A_517 = vector.shape_cast %get3A_516 : vector<1x16xi32> to vector<16xi32>
    %mul3A_518 = arith.constant 4 : i32
    %mul3A_519 = vector.broadcast %mul3A_518 : i32 to vector<16xi32>
    %mul3A_520 = arith.muli %iota3A, %mul3A_519 : vector<16xi32>
    %add3A_521 = arith.constant 64 : i32
    %add3A_522 = vector.broadcast %add3A_521 : i32 to vector<16xi32>
    %add3A_523 = arith.addi %mul3A_520, %add3A_522 : vector<16xi32>
    %add3A_524 = arith.addi %get3A_517, %add3A_523 : vector<16xi32>
    %swap3A_525 = arith.constant 3 : i32
    %swap3A_526 = arith.index_cast %swap3A_525 : i32 to index
    %swap3A_527 = arith.constant 16 : index
    %swap3A_528 = tpu.vector_load %arg5[%swap3A_526, %swap3A_527] {strides = array<i32>} : memref<200x128xi32, #tpu.memory_space<vmem>>, vector<1x16xi32>,
    %swap3A_529 = vector.shape_cast %swap3A_528 : vector<1x16xi32> to vector<16xi32>
    %swap3A_530 = vector.shape_cast %add3A_524 : vector<16xi32> to vector<1x16xi32>
    tpu.vector_store %arg5[%swap3A_526, %swap3A_527], %swap3A_530 {strides = array<i32>} : memref<200x128xi32, #tpu.memory_space<vmem>>, vector<1x16xi32>,
    %get3A_531 = arith.constant 3 : i32
    %get3A_532 = arith.index_cast %get3A_531 : i32 to index
    %get3A_533 = arith.constant 32 : index
    %get3A_534 = tpu.vector_load %arg5[%get3A_532, %get3A_533] {strides = array<i32>} : memref<200x128xi32, #tpu.memory_space<vmem>>, vector<1x16xi32>,
    %get3A_535 = vector.shape_cast %get3A_534 : vector<1x16xi32> to vector<16xi32>
    %mul3A_536 = arith.constant 4 : i32
    %mul3A_537 = vector.broadcast %mul3A_536 : i32 to vector<16xi32>
    %mul3A_538 = arith.muli %iota3A, %mul3A_537 : vector<16xi32>
    %add3A_539 = arith.constant 128 : i32
    %add3A_540 = vector.broadcast %add3A_539 : i32 to vector<16xi32>
    %add3A_541 = arith.addi %mul3A_538, %add3A_540 : vector<16xi32>
    %add3A_542 = arith.addi %get3A_535, %add3A_541 : vector<16xi32>
    %swap3A_543 = arith.constant 3 : i32
    %swap3A_544 = arith.index_cast %swap3A_543 : i32 to index
    %swap3A_545 = arith.constant 32 : index
    %swap3A_546 = tpu.vector_load %arg5[%swap3A_544, %swap3A_545] {strides = array<i32>} : memref<200x128xi32, #tpu.memory_space<vmem>>, vector<1x16xi32>,
    %swap3A_547 = vector.shape_cast %swap3A_546 : vector<1x16xi32> to vector<16xi32>
    %swap3A_548 = vector.shape_cast %add3A_542 : vector<16xi32> to vector<1x16xi32>
    tpu.vector_store %arg5[%swap3A_544, %swap3A_545], %swap3A_548 {strides = array<i32>} : memref<200x128xi32, #tpu.memory_space<vmem>>, vector<1x16xi32>,
    %get3A_549 = arith.constant 3 : i32
    %get3A_550 = arith.index_cast %get3A_549 : i32 to index
    %get3A_551 = arith.constant 48 : index
    %get3A_552 = tpu.vector_load %arg5[%get3A_550, %get3A_551] {strides = array<i32>} : memref<200x128xi32, #tpu.memory_space<vmem>>, vector<1x16xi32>,
    %get3A_553 = vector.shape_cast %get3A_552 : vector<1x16xi32> to vector<16xi32>
    %mul3A_554 = arith.constant 4 : i32
    %mul3A_555 = vector.broadcast %mul3A_554 : i32 to vector<16xi32>
    %mul3A_556 = arith.muli %iota3A, %mul3A_555 : vector<16xi32>
    %add3A_557 = arith.constant 192 : i32
    %add3A_558 = vector.broadcast %add3A_557 : i32 to vector<16xi32>
    %add3A_559 = arith.addi %mul3A_556, %add3A_558 : vector<16xi32>
    %add3A_560 = arith.addi %get3A_553, %add3A_559 : vector<16xi32>
    %swap3A_561 = arith.constant 3 : i32
    %swap3A_562 = arith.index_cast %swap3A_561 : i32 to index
    %swap3A_563 = arith.constant 48 : index
    %swap3A_564 = tpu.vector_load %arg5[%swap3A_562, %swap3A_563] {strides = array<i32>} : memref<200x128xi32, #tpu.memory_space<vmem>>, vector<1x16xi32>,
    %swap3A_565 = vector.shape_cast %swap3A_564 : vector<1x16xi32> to vector<16xi32>
    %swap3A_566 = vector.shape_cast %add3A_560 : vector<16xi32> to vector<1x16xi32>
    tpu.vector_store %arg5[%swap3A_562, %swap3A_563], %swap3A_566 {strides = array<i32>} : memref<200x128xi32, #tpu.memory_space<vmem>>, vector<1x16xi32>,
    %get3A_567 = arith.constant 3 : i32
    %get3A_568 = arith.index_cast %get3A_567 : i32 to index
    %get3A_569 = arith.constant 64 : index
    %get3A_570 = tpu.vector_load %arg5[%get3A_568, %get3A_569] {strides = array<i32>} : memref<200x128xi32, #tpu.memory_space<vmem>>, vector<1x16xi32>,
    %get3A_571 = vector.shape_cast %get3A_570 : vector<1x16xi32> to vector<16xi32>
    %mul3A_572 = arith.constant 4 : i32
    %mul3A_573 = vector.broadcast %mul3A_572 : i32 to vector<16xi32>
    %mul3A_574 = arith.muli %iota3A, %mul3A_573 : vector<16xi32>
    %add3A_575 = arith.constant 0 : i32
    %add3A_576 = vector.broadcast %add3A_575 : i32 to vector<16xi32>
    %add3A_577 = arith.addi %mul3A_574, %add3A_576 : vector<16xi32>
    %add3A_578 = arith.addi %get3A_571, %add3A_577 : vector<16xi32>
    %swap3A_579 = arith.constant 3 : i32
    %swap3A_580 = arith.index_cast %swap3A_579 : i32 to index
    %swap3A_581 = arith.constant 64 : index
    %swap3A_582 = tpu.vector_load %arg5[%swap3A_580, %swap3A_581] {strides = array<i32>} : memref<200x128xi32, #tpu.memory_space<vmem>>, vector<1x16xi32>,
    %swap3A_583 = vector.shape_cast %swap3A_582 : vector<1x16xi32> to vector<16xi32>
    %swap3A_584 = vector.shape_cast %add3A_578 : vector<16xi32> to vector<1x16xi32>
    tpu.vector_store %arg5[%swap3A_580, %swap3A_581], %swap3A_584 {strides = array<i32>} : memref<200x128xi32, #tpu.memory_space<vmem>>, vector<1x16xi32>,
    %get3A_585 = arith.constant 3 : i32
    %get3A_586 = arith.index_cast %get3A_585 : i32 to index
    %get3A_587 = arith.constant 80 : index
    %get3A_588 = tpu.vector_load %arg5[%get3A_586, %get3A_587] {strides = array<i32>} : memref<200x128xi32, #tpu.memory_space<vmem>>, vector<1x16xi32>,
    %get3A_589 = vector.shape_cast %get3A_588 : vector<1x16xi32> to vector<16xi32>
    %mul3A_590 = arith.constant 4 : i32
    %mul3A_591 = vector.broadcast %mul3A_590 : i32 to vector<16xi32>
    %mul3A_592 = arith.muli %iota3A, %mul3A_591 : vector<16xi32>
    %add3A_593 = arith.constant 64 : i32
    %add3A_594 = vector.broadcast %add3A_593 : i32 to vector<16xi32>
    %add3A_595 = arith.addi %mul3A_592, %add3A_594 : vector<16xi32>
    %add3A_596 = arith.addi %get3A_589, %add3A_595 : vector<16xi32>
    %swap3A_597 = arith.constant 3 : i32
    %swap3A_598 = arith.index_cast %swap3A_597 : i32 to index
    %swap3A_599 = arith.constant 80 : index
    %swap3A_600 = tpu.vector_load %arg5[%swap3A_598, %swap3A_599] {strides = array<i32>} : memref<200x128xi32, #tpu.memory_space<vmem>>, vector<1x16xi32>,
    %swap3A_601 = vector.shape_cast %swap3A_600 : vector<1x16xi32> to vector<16xi32>
    %swap3A_602 = vector.shape_cast %add3A_596 : vector<16xi32> to vector<1x16xi32>
    tpu.vector_store %arg5[%swap3A_598, %swap3A_599], %swap3A_602 {strides = array<i32>} : memref<200x128xi32, #tpu.memory_space<vmem>>, vector<1x16xi32>,
    %get3A_603 = arith.constant 3 : i32
    %get3A_604 = arith.index_cast %get3A_603 : i32 to index
    %get3A_605 = arith.constant 96 : index
    %get3A_606 = tpu.vector_load %arg5[%get3A_604, %get3A_605] {strides = array<i32>} : memref<200x128xi32, #tpu.memory_space<vmem>>, vector<1x16xi32>,
    %get3A_607 = vector.shape_cast %get3A_606 : vector<1x16xi32> to vector<16xi32>
    %mul3A_608 = arith.constant 4 : i32
    %mul3A_609 = vector.broadcast %mul3A_608 : i32 to vector<16xi32>
    %mul3A_610 = arith.muli %iota3A, %mul3A_609 : vector<16xi32>
    %add3A_611 = arith.constant 128 : i32
    %add3A_612 = vector.broadcast %add3A_611 : i32 to vector<16xi32>
    %add3A_613 = arith.addi %mul3A_610, %add3A_612 : vector<16xi32>
    %add3A_614 = arith.addi %get3A_607, %add3A_613 : vector<16xi32>
    %swap3A_615 = arith.constant 3 : i32
    %swap3A_616 = arith.index_cast %swap3A_615 : i32 to index
    %swap3A_617 = arith.constant 96 : index
    %swap3A_618 = tpu.vector_load %arg5[%swap3A_616, %swap3A_617] {strides = array<i32>} : memref<200x128xi32, #tpu.memory_space<vmem>>, vector<1x16xi32>,
    %swap3A_619 = vector.shape_cast %swap3A_618 : vector<1x16xi32> to vector<16xi32>
    %swap3A_620 = vector.shape_cast %add3A_614 : vector<16xi32> to vector<1x16xi32>
    tpu.vector_store %arg5[%swap3A_616, %swap3A_617], %swap3A_620 {strides = array<i32>} : memref<200x128xi32, #tpu.memory_space<vmem>>, vector<1x16xi32>,
    %get3A_621 = arith.constant 3 : i32
    %get3A_622 = arith.index_cast %get3A_621 : i32 to index
    %get3A_623 = arith.constant 112 : index
    %get3A_624 = tpu.vector_load %arg5[%get3A_622, %get3A_623] {strides = array<i32>} : memref<200x128xi32, #tpu.memory_space<vmem>>, vector<1x16xi32>,
    %get3A_625 = vector.shape_cast %get3A_624 : vector<1x16xi32> to vector<16xi32>
    %mul3A_626 = arith.constant 4 : i32
    %mul3A_627 = vector.broadcast %mul3A_626 : i32 to vector<16xi32>
    %mul3A_628 = arith.muli %iota3A, %mul3A_627 : vector<16xi32>
    %add3A_629 = arith.constant 192 : i32
    %add3A_630 = vector.broadcast %add3A_629 : i32 to vector<16xi32>
    %add3A_631 = arith.addi %mul3A_628, %add3A_630 : vector<16xi32>
    %add3A_632 = arith.addi %get3A_625, %add3A_631 : vector<16xi32>
    %swap3A_633 = arith.constant 3 : i32
    %swap3A_634 = arith.index_cast %swap3A_633 : i32 to index
    %swap3A_635 = arith.constant 112 : index
    %swap3A_636 = tpu.vector_load %arg5[%swap3A_634, %swap3A_635] {strides = array<i32>} : memref<200x128xi32, #tpu.memory_space<vmem>>, vector<1x16xi32>,
    %swap3A_637 = vector.shape_cast %swap3A_636 : vector<1x16xi32> to vector<16xi32>
    %swap3A_638 = vector.shape_cast %add3A_632 : vector<16xi32> to vector<1x16xi32>
    tpu.vector_store %arg5[%swap3A_634, %swap3A_635], %swap3A_638 {strides = array<i32>} : memref<200x128xi32, #tpu.memory_space<vmem>>, vector<1x16xi32>,
    %dma_start3A_639 = arith.constant 3 : i32
    %dma_start3A_640 = arith.constant 3 : i32
    %dma_start3A_641 = arith.constant 3 : i32
    %dma_start3A_642 = arith.constant 0 : i32
    %dma_start3A_643 = arith.constant 0 : i32
    %dma_start3A_644 = tpu.memref_slice %arg6[%dma_start3A_640, %dma_start3A_642, %dma_start3A_643] : memref<4x128x128xf32, #tpu.memory_space<vmem>> -> memref<1x128x128xf32, #tpu.memory_space<vmem>>
    %dma_start3A_645 = tpu.memref_squeeze %dma_start3A_644 : memref<1x128x128xf32, #tpu.memory_space<vmem>> -> memref<128x128xf32, #tpu.memory_space<vmem>>
    %dma_start3A_646 = arith.constant 0 : i32
    %dma_start3A_647 = tpu.memref_slice %arg5[%dma_start3A_639, %dma_start3A_646] : memref<200x128xi32, #tpu.memory_space<vmem>> -> memref<1x128xi32, #tpu.memory_space<vmem>>
    %dma_start3A_648 = tpu.memref_squeeze %dma_start3A_647 : memref<1x128xi32, #tpu.memory_space<vmem>> -> memref<128xi32, #tpu.memory_space<vmem>>
    %dma_start3A_649 = arith.constant 0 : i32
    %dma_start3A_650 = arith.constant 0 : i32
    %dma_start3A_651 = tpu.memref_slice %arg7[%dma_start3A_649, %dma_start3A_650] : memref<256x128xf32, #tpu.memory_space<vmem_shared>> -> memref<256x128xf32, #tpu.memory_space<vmem_shared>>
    %dma_start3A_652 = tpu.memref_slice %arg8[%dma_start3A_641] : memref<4x!tpu.dma_semaphore, #tpu.memory_space<semaphore_mem>> -> memref<1x!tpu.dma_semaphore, #tpu.memory_space<semaphore_mem>>
    %dma_start3A_653 = tpu.memref_squeeze %dma_start3A_652 : memref<1x!tpu.dma_semaphore, #tpu.memory_space<semaphore_mem>> -> memref<!tpu.dma_semaphore, #tpu.memory_space<semaphore_mem>>
    tpu.enqueue_indirect_dma source(%dma_start3A_651 : memref<256x128xf32, #tpu.memory_space<vmem_shared>>) target(%dma_start3A_645 : memref<128x128xf32, #tpu.memory_space<vmem>>) offsets(%dma_start3A_648 : memref<128xi32, #tpu.memory_space<vmem>>) semaphore(%dma_start3A_653 : memref<!tpu.dma_semaphore, #tpu.memory_space<semaphore_mem>>)
    %dma_wait3A = arith.constant 8 : i32
    %dma_wait3A_654 = arith.constant 0 : i32
    %dma_wait3A_655 = tpu.memref_slice %arg5[%dma_wait3A, %dma_wait3A_654] : memref<200x128xi32, #tpu.memory_space<vmem>> -> memref<192x128xi32, #tpu.memory_space<vmem>>
    %dma_wait3A_656 = arith.constant 8 : i32
    %dma_wait3A_657 = arith.constant 0 : i32
    %dma_wait3A_658 = tpu.memref_slice %arg2[%add3A, %dma_wait3A_656, %dma_wait3A_657] : memref<32x200x128xi32, #tpu.memory_space<hbm>> -> memref<1x192x128xi32, #tpu.memory_space<hbm>>
    %dma_wait3A_659 = tpu.memref_squeeze %dma_wait3A_658 : memref<1x192x128xi32, #tpu.memory_space<hbm>> -> memref<192x128xi32, #tpu.memory_space<hbm>>
    %dma_wait3A_660 = arith.constant 8 : i32
    %dma_wait3A_661 = arith.constant 0 : i32
    %dma_wait3A_662 = tpu.memref_slice %arg5[%dma_wait3A_660, %dma_wait3A_661] : memref<200x128xi32, #tpu.memory_space<vmem>> -> memref<192x128xi32, #tpu.memory_space<vmem>>
    %dma_wait3A_663 = arith.constant 8 : i32
    %dma_wait3A_664 = arith.constant 0 : i32
    %dma_wait3A_665 = tpu.memref_slice %arg2[%add3A, %dma_wait3A_663, %dma_wait3A_664] : memref<32x200x128xi32, #tpu.memory_space<hbm>> -> memref<1x192x128xi32, #tpu.memory_space<hbm>>
    %dma_wait3A_666 = tpu.memref_squeeze %dma_wait3A_665 : memref<1x192x128xi32, #tpu.memory_space<hbm>> -> memref<192x128xi32, #tpu.memory_space<hbm>>
    tpu.wait_dma2 semaphore(%arg10 : memref<!tpu.dma_semaphore, #tpu.memory_space<semaphore_mem>>) src(%dma_wait3A_666 : memref<192x128xi32, #tpu.memory_space<hbm>>) dst(%dma_wait3A_662 : memref<192x128xi32, #tpu.memory_space<vmem>>)
    %scan3A = arith.constant 0 : i32
    %scan3A_667 = arith.constant 0 : i32
    %scan3A_668 = arith.constant 49 : i32
    %scan3A_669 = arith.addi %scan3A_667, %scan3A_668 : i32
    %scan3A_670 = arith.constant 1 : i32
    %scan3A_671 = scf.for %scan3A_877 = %scan3A_667 to %scan3A_669 step %scan3A_670 iter_args(%scan3A_878 = %scan3A) -> (i32)  : i32 {
      %mul3A_879 = arith.constant 4 : i32
      %mul3A_880 = arith.muli %scan3A_877, %mul3A_879 : i32
      %add3A_881 = arith.constant 0 : i32
      %add3A_882 = arith.addi %mul3A_880, %add3A_881 : i32
      %add3A_883 = arith.constant 4 : i32
      %add3A_884 = arith.addi %add3A_882, %add3A_883 : i32
      %get3A_885 = arith.index_cast %add3A_884 : i32 to index
      %get3A_886 = arith.constant 0 : index
      %get3A_887 = tpu.vector_load %arg5[%get3A_885, %get3A_886] {strides = array<i32>} : memref<200x128xi32, #tpu.memory_space<vmem>>, vector<1x16xi32>,
      %get3A_888 = vector.shape_cast %get3A_887 : vector<1x16xi32> to vector<16xi32>
      %mul3A_889 = arith.constant 4 : i32
      %mul3A_890 = vector.broadcast %mul3A_889 : i32 to vector<16xi32>
      %mul3A_891 = arith.muli %iota3A, %mul3A_890 : vector<16xi32>
      %add3A_892 = arith.constant 0 : i32
      %add3A_893 = vector.broadcast %add3A_892 : i32 to vector<16xi32>
      %add3A_894 = arith.addi %mul3A_891, %add3A_893 : vector<16xi32>
      %add3A_895 = arith.addi %get3A_888, %add3A_894 : vector<16xi32>
      %swap3A_896 = arith.index_cast %add3A_884 : i32 to index
      %swap3A_897 = arith.constant 0 : index
      %swap3A_898 = tpu.vector_load %arg5[%swap3A_896, %swap3A_897] {strides = array<i32>} : memref<200x128xi32, #tpu.memory_space<vmem>>, vector<1x16xi32>,
      %swap3A_899 = vector.shape_cast %swap3A_898 : vector<1x16xi32> to vector<16xi32>
      %swap3A_900 = vector.shape_cast %add3A_895 : vector<16xi32> to vector<1x16xi32>
      tpu.vector_store %arg5[%swap3A_896, %swap3A_897], %swap3A_900 {strides = array<i32>} : memref<200x128xi32, #tpu.memory_space<vmem>>, vector<1x16xi32>,
      %get3A_901 = arith.index_cast %add3A_884 : i32 to index
      %get3A_902 = arith.constant 16 : index
      %get3A_903 = tpu.vector_load %arg5[%get3A_901, %get3A_902] {strides = array<i32>} : memref<200x128xi32, #tpu.memory_space<vmem>>, vector<1x16xi32>,
      %get3A_904 = vector.shape_cast %get3A_903 : vector<1x16xi32> to vector<16xi32>
      %mul3A_905 = arith.constant 4 : i32
      %mul3A_906 = vector.broadcast %mul3A_905 : i32 to vector<16xi32>
      %mul3A_907 = arith.muli %iota3A, %mul3A_906 : vector<16xi32>
      %add3A_908 = arith.constant 64 : i32
      %add3A_909 = vector.broadcast %add3A_908 : i32 to vector<16xi32>
      %add3A_910 = arith.addi %mul3A_907, %add3A_909 : vector<16xi32>
      %add3A_911 = arith.addi %get3A_904, %add3A_910 : vector<16xi32>
      %swap3A_912 = arith.index_cast %add3A_884 : i32 to index
      %swap3A_913 = arith.constant 16 : index
      %swap3A_914 = tpu.vector_load %arg5[%swap3A_912, %swap3A_913] {strides = array<i32>} : memref<200x128xi32, #tpu.memory_space<vmem>>, vector<1x16xi32>,
      %swap3A_915 = vector.shape_cast %swap3A_914 : vector<1x16xi32> to vector<16xi32>
      %swap3A_916 = vector.shape_cast %add3A_911 : vector<16xi32> to vector<1x16xi32>
      tpu.vector_store %arg5[%swap3A_912, %swap3A_913], %swap3A_916 {strides = array<i32>} : memref<200x128xi32, #tpu.memory_space<vmem>>, vector<1x16xi32>,
      %get3A_917 = arith.index_cast %add3A_884 : i32 to index
      %get3A_918 = arith.constant 32 : index
      %get3A_919 = tpu.vector_load %arg5[%get3A_917, %get3A_918] {strides = array<i32>} : memref<200x128xi32, #tpu.memory_space<vmem>>, vector<1x16xi32>,
      %get3A_920 = vector.shape_cast %get3A_919 : vector<1x16xi32> to vector<16xi32>
      %mul3A_921 = arith.constant 4 : i32
      %mul3A_922 = vector.broadcast %mul3A_921 : i32 to vector<16xi32>
      %mul3A_923 = arith.muli %iota3A, %mul3A_922 : vector<16xi32>
      %add3A_924 = arith.constant 128 : i32
      %add3A_925 = vector.broadcast %add3A_924 : i32 to vector<16xi32>
      %add3A_926 = arith.addi %mul3A_923, %add3A_925 : vector<16xi32>
      %add3A_927 = arith.addi %get3A_920, %add3A_926 : vector<16xi32>
      %swap3A_928 = arith.index_cast %add3A_884 : i32 to index
      %swap3A_929 = arith.constant 32 : index
      %swap3A_930 = tpu.vector_load %arg5[%swap3A_928, %swap3A_929] {strides = array<i32>} : memref<200x128xi32, #tpu.memory_space<vmem>>, vector<1x16xi32>,
      %swap3A_931 = vector.shape_cast %swap3A_930 : vector<1x16xi32> to vector<16xi32>
      %swap3A_932 = vector.shape_cast %add3A_927 : vector<16xi32> to vector<1x16xi32>
      tpu.vector_store %arg5[%swap3A_928, %swap3A_929], %swap3A_932 {strides = array<i32>} : memref<200x128xi32, #tpu.memory_space<vmem>>, vector<1x16xi32>,
      %get3A_933 = arith.index_cast %add3A_884 : i32 to index
      %get3A_934 = arith.constant 48 : index
      %get3A_935 = tpu.vector_load %arg5[%get3A_933, %get3A_934] {strides = array<i32>} : memref<200x128xi32, #tpu.memory_space<vmem>>, vector<1x16xi32>,
      %get3A_936 = vector.shape_cast %get3A_935 : vector<1x16xi32> to vector<16xi32>
      %mul3A_937 = arith.constant 4 : i32
      %mul3A_938 = vector.broadcast %mul3A_937 : i32 to vector<16xi32>
      %mul3A_939 = arith.muli %iota3A, %mul3A_938 : vector<16xi32>
      %add3A_940 = arith.constant 192 : i32
      %add3A_941 = vector.broadcast %add3A_940 : i32 to vector<16xi32>
      %add3A_942 = arith.addi %mul3A_939, %add3A_941 : vector<16xi32>
      %add3A_943 = arith.addi %get3A_936, %add3A_942 : vector<16xi32>
      %swap3A_944 = arith.index_cast %add3A_884 : i32 to index
      %swap3A_945 = arith.constant 48 : index
      %swap3A_946 = tpu.vector_load %arg5[%swap3A_944, %swap3A_945] {strides = array<i32>} : memref<200x128xi32, #tpu.memory_space<vmem>>, vector<1x16xi32>,
      %swap3A_947 = vector.shape_cast %swap3A_946 : vector<1x16xi32> to vector<16xi32>
      %swap3A_948 = vector.shape_cast %add3A_943 : vector<16xi32> to vector<1x16xi32>
      tpu.vector_store %arg5[%swap3A_944, %swap3A_945], %swap3A_948 {strides = array<i32>} : memref<200x128xi32, #tpu.memory_space<vmem>>, vector<1x16xi32>,
      %get3A_949 = arith.index_cast %add3A_884 : i32 to index
      %get3A_950 = arith.constant 64 : index
      %get3A_951 = tpu.vector_load %arg5[%get3A_949, %get3A_950] {strides = array<i32>} : memref<200x128xi32, #tpu.memory_space<vmem>>, vector<1x16xi32>,
      %get3A_952 = vector.shape_cast %get3A_951 : vector<1x16xi32> to vector<16xi32>
      %mul3A_953 = arith.constant 4 : i32
      %mul3A_954 = vector.broadcast %mul3A_953 : i32 to vector<16xi32>
      %mul3A_955 = arith.muli %iota3A, %mul3A_954 : vector<16xi32>
      %add3A_956 = arith.constant 0 : i32
      %add3A_957 = vector.broadcast %add3A_956 : i32 to vector<16xi32>
      %add3A_958 = arith.addi %mul3A_955, %add3A_957 : vector<16xi32>
      %add3A_959 = arith.addi %get3A_952, %add3A_958 : vector<16xi32>
      %swap3A_960 = arith.index_cast %add3A_884 : i32 to index
      %swap3A_961 = arith.constant 64 : index
      %swap3A_962 = tpu.vector_load %arg5[%swap3A_960, %swap3A_961] {strides = array<i32>} : memref<200x128xi32, #tpu.memory_space<vmem>>, vector<1x16xi32>,
      %swap3A_963 = vector.shape_cast %swap3A_962 : vector<1x16xi32> to vector<16xi32>
      %swap3A_964 = vector.shape_cast %add3A_959 : vector<16xi32> to vector<1x16xi32>
      tpu.vector_store %arg5[%swap3A_960, %swap3A_961], %swap3A_964 {strides = array<i32>} : memref<200x128xi32, #tpu.memory_space<vmem>>, vector<1x16xi32>,
      %get3A_965 = arith.index_cast %add3A_884 : i32 to index
      %get3A_966 = arith.constant 80 : index
      %get3A_967 = tpu.vector_load %arg5[%get3A_965, %get3A_966] {strides = array<i32>} : memref<200x128xi32, #tpu.memory_space<vmem>>, vector<1x16xi32>,
      %get3A_968 = vector.shape_cast %get3A_967 : vector<1x16xi32> to vector<16xi32>
      %mul3A_969 = arith.constant 4 : i32
      %mul3A_970 = vector.broadcast %mul3A_969 : i32 to vector<16xi32>
      %mul3A_971 = arith.muli %iota3A, %mul3A_970 : vector<16xi32>
      %add3A_972 = arith.constant 64 : i32
      %add3A_973 = vector.broadcast %add3A_972 : i32 to vector<16xi32>
      %add3A_974 = arith.addi %mul3A_971, %add3A_973 : vector<16xi32>
      %add3A_975 = arith.addi %get3A_968, %add3A_974 : vector<16xi32>
      %swap3A_976 = arith.index_cast %add3A_884 : i32 to index
      %swap3A_977 = arith.constant 80 : index
      %swap3A_978 = tpu.vector_load %arg5[%swap3A_976, %swap3A_977] {strides = array<i32>} : memref<200x128xi32, #tpu.memory_space<vmem>>, vector<1x16xi32>,
      %swap3A_979 = vector.shape_cast %swap3A_978 : vector<1x16xi32> to vector<16xi32>
      %swap3A_980 = vector.shape_cast %add3A_975 : vector<16xi32> to vector<1x16xi32>
      tpu.vector_store %arg5[%swap3A_976, %swap3A_977], %swap3A_980 {strides = array<i32>} : memref<200x128xi32, #tpu.memory_space<vmem>>, vector<1x16xi32>,
      %get3A_981 = arith.index_cast %add3A_884 : i32 to index
      %get3A_982 = arith.constant 96 : index
      %get3A_983 = tpu.vector_load %arg5[%get3A_981, %get3A_982] {strides = array<i32>} : memref<200x128xi32, #tpu.memory_space<vmem>>, vector<1x16xi32>,
      %get3A_984 = vector.shape_cast %get3A_983 : vector<1x16xi32> to vector<16xi32>
      %mul3A_985 = arith.constant 4 : i32
      %mul3A_986 = vector.broadcast %mul3A_985 : i32 to vector<16xi32>
      %mul3A_987 = arith.muli %iota3A, %mul3A_986 : vector<16xi32>
      %add3A_988 = arith.constant 128 : i32
      %add3A_989 = vector.broadcast %add3A_988 : i32 to vector<16xi32>
      %add3A_990 = arith.addi %mul3A_987, %add3A_989 : vector<16xi32>
      %add3A_991 = arith.addi %get3A_984, %add3A_990 : vector<16xi32>
      %swap3A_992 = arith.index_cast %add3A_884 : i32 to index
      %swap3A_993 = arith.constant 96 : index
      %swap3A_994 = tpu.vector_load %arg5[%swap3A_992, %swap3A_993] {strides = array<i32>} : memref<200x128xi32, #tpu.memory_space<vmem>>, vector<1x16xi32>,
      %swap3A_995 = vector.shape_cast %swap3A_994 : vector<1x16xi32> to vector<16xi32>
      %swap3A_996 = vector.shape_cast %add3A_991 : vector<16xi32> to vector<1x16xi32>
      tpu.vector_store %arg5[%swap3A_992, %swap3A_993], %swap3A_996 {strides = array<i32>} : memref<200x128xi32, #tpu.memory_space<vmem>>, vector<1x16xi32>,
      %get3A_997 = arith.index_cast %add3A_884 : i32 to index
      %get3A_998 = arith.constant 112 : index
      %get3A_999 = tpu.vector_load %arg5[%get3A_997, %get3A_998] {strides = array<i32>} : memref<200x128xi32, #tpu.memory_space<vmem>>, vector<1x16xi32>,
      %get3A_1000 = vector.shape_cast %get3A_999 : vector<1x16xi32> to vector<16xi32>
      %mul3A_1001 = arith.constant 4 : i32
      %mul3A_1002 = vector.broadcast %mul3A_1001 : i32 to vector<16xi32>
      %mul3A_1003 = arith.muli %iota3A, %mul3A_1002 : vector<16xi32>
      %add3A_1004 = arith.constant 192 : i32
      %add3A_1005 = vector.broadcast %add3A_1004 : i32 to vector<16xi32>
      %add3A_1006 = arith.addi %mul3A_1003, %add3A_1005 : vector<16xi32>
      %add3A_1007 = arith.addi %get3A_1000, %add3A_1006 : vector<16xi32>
      %swap3A_1008 = arith.index_cast %add3A_884 : i32 to index
      %swap3A_1009 = arith.constant 112 : index
      %swap3A_1010 = tpu.vector_load %arg5[%swap3A_1008, %swap3A_1009] {strides = array<i32>} : memref<200x128xi32, #tpu.memory_space<vmem>>, vector<1x16xi32>,
      %swap3A_1011 = vector.shape_cast %swap3A_1010 : vector<1x16xi32> to vector<16xi32>
      %swap3A_1012 = vector.shape_cast %add3A_1007 : vector<16xi32> to vector<1x16xi32>
      tpu.vector_store %arg5[%swap3A_1008, %swap3A_1009], %swap3A_1012 {strides = array<i32>} : memref<200x128xi32, #tpu.memory_space<vmem>>, vector<1x16xi32>,
      %dma_wait3A_1013 = arith.constant 0 : i32
      %dma_wait3A_1014 = arith.constant 0 : i32
      %dma_wait3A_1015 = arith.constant 0 : i32
      %dma_wait3A_1016 = arith.constant 0 : i32
      %dma_wait3A_1017 = tpu.memref_slice %arg6[%dma_wait3A_1013, %dma_wait3A_1015, %dma_wait3A_1016] : memref<4x128x128xf32, #tpu.memory_space<vmem>> -> memref<1x128x128xf32, #tpu.memory_space<vmem>>
      %dma_wait3A_1018 = tpu.memref_squeeze %dma_wait3A_1017 : memref<1x128x128xf32, #tpu.memory_space<vmem>> -> memref<128x128xf32, #tpu.memory_space<vmem>>
      %dma_wait3A_1019 = arith.constant 0 : i32
      %dma_wait3A_1020 = tpu.memref_slice %arg5[%add3A_882, %dma_wait3A_1019] : memref<200x128xi32, #tpu.memory_space<vmem>> -> memref<1x128xi32, #tpu.memory_space<vmem>>
      %dma_wait3A_1021 = tpu.memref_squeeze %dma_wait3A_1020 : memref<1x128xi32, #tpu.memory_space<vmem>> -> memref<128xi32, #tpu.memory_space<vmem>>
      %dma_wait3A_1022 = arith.constant 0 : i32
      %dma_wait3A_1023 = arith.constant 0 : i32
      %dma_wait3A_1024 = tpu.memref_slice %arg7[%dma_wait3A_1022, %dma_wait3A_1023] : memref<256x128xf32, #tpu.memory_space<vmem_shared>> -> memref<256x128xf32, #tpu.memory_space<vmem_shared>>
      %dma_wait3A_1025 = tpu.memref_slice %arg8[%dma_wait3A_1014] : memref<4x!tpu.dma_semaphore, #tpu.memory_space<semaphore_mem>> -> memref<1x!tpu.dma_semaphore, #tpu.memory_space<semaphore_mem>>
      %dma_wait3A_1026 = tpu.memref_squeeze %dma_wait3A_1025 : memref<1x!tpu.dma_semaphore, #tpu.memory_space<semaphore_mem>> -> memref<!tpu.dma_semaphore, #tpu.memory_space<semaphore_mem>>
      tpu.wait_indirect_dma semaphore(%dma_wait3A_1026 : memref<!tpu.dma_semaphore, #tpu.memory_space<semaphore_mem>>) src(%dma_wait3A_1024 : memref<256x128xf32, #tpu.memory_space<vmem_shared>>) dst(%dma_wait3A_1018 : memref<128x128xf32, #tpu.memory_space<vmem>>)
      %mul3A_1027 = arith.constant 128 : i32
      %mul3A_1028 = arith.muli %add3A_882, %mul3A_1027 : i32
      %add3A_1029 = arith.addi %mul3A_2, %mul3A_1028 : i32
      %dma_start3A_1030 = arith.constant 0 : i32
      %dma_start3A_1031 = arith.constant 0 : i32
      %dma_start3A_1032 = arith.constant 0 : i32
      %dma_start3A_1033 = arith.constant 0 : i32
      %dma_start3A_1034 = tpu.memref_slice %arg6[%dma_start3A_1030, %dma_start3A_1032, %dma_start3A_1033] : memref<4x128x128xf32, #tpu.memory_space<vmem>> -> memref<1x128x128xf32, #tpu.memory_space<vmem>>
      %dma_start3A_1035 = tpu.memref_squeeze %dma_start3A_1034 : memref<1x128x128xf32, #tpu.memory_space<vmem>> -> memref<128x128xf32, #tpu.memory_space<vmem>>
      %dma_start3A_1036 = arith.constant 0 : i32
      %dma_start3A_1037 = tpu.memref_slice %arg4[%add3A_1029, %dma_start3A_1036] : memref<819200x128xf32, #tpu.memory_space<hbm>> -> memref<128x128xf32, #tpu.memory_space<hbm>>
      %dma_start3A_1038 = tpu.memref_slice %arg9[%dma_start3A_1031] : memref<4x!tpu.dma_semaphore, #tpu.memory_space<semaphore_mem>> -> memref<1x!tpu.dma_semaphore, #tpu.memory_space<semaphore_mem>>
      %dma_start3A_1039 = tpu.memref_squeeze %dma_start3A_1038 : memref<1x!tpu.dma_semaphore, #tpu.memory_space<semaphore_mem>> -> memref<!tpu.dma_semaphore, #tpu.memory_space<semaphore_mem>>
      %dma_start3A_1040 = arith.constant 0 : i32
      %dma_start3A_1041 = tpu.memref_slice %arg4[%add3A_1029, %dma_start3A_1040] : memref<819200x128xf32, #tpu.memory_space<hbm>> -> memref<128x128xf32, #tpu.memory_space<hbm>>
      %dma_start3A_1042 = arith.constant 0 : i32
      %dma_start3A_1043 = arith.constant 0 : i32
      %dma_start3A_1044 = tpu.memref_slice %arg6[%dma_start3A_1030, %dma_start3A_1042, %dma_start3A_1043] : memref<4x128x128xf32, #tpu.memory_space<vmem>> -> memref<1x128x128xf32, #tpu.memory_space<vmem>>
      %dma_start3A_1045 = tpu.memref_squeeze %dma_start3A_1044 : memref<1x128x128xf32, #tpu.memory_space<vmem>> -> memref<128x128xf32, #tpu.memory_space<vmem>>
      tpu.enqueue_dma source(%dma_start3A_1045 : memref<128x128xf32, #tpu.memory_space<vmem>>) target(%dma_start3A_1041 : memref<128x128xf32, #tpu.memory_space<hbm>>) target_semaphore(%dma_start3A_1039 : memref<!tpu.dma_semaphore, #tpu.memory_space<semaphore_mem>>)
      %mul3A_1046 = arith.constant 128 : i32
      %mul3A_1047 = arith.muli %add3A_882, %mul3A_1046 : i32
      %add3A_1048 = arith.addi %mul3A_2, %mul3A_1047 : i32
      %dma_wait3A_1049 = arith.constant 0 : i32
      %dma_wait3A_1050 = arith.constant 0 : i32
      %dma_wait3A_1051 = arith.constant 0 : i32
      %dma_wait3A_1052 = arith.constant 0 : i32
      %dma_wait3A_1053 = tpu.memref_slice %arg6[%dma_wait3A_1049, %dma_wait3A_1051, %dma_wait3A_1052] : memref<4x128x128xf32, #tpu.memory_space<vmem>> -> memref<1x128x128xf32, #tpu.memory_space<vmem>>
      %dma_wait3A_1054 = tpu.memref_squeeze %dma_wait3A_1053 : memref<1x128x128xf32, #tpu.memory_space<vmem>> -> memref<128x128xf32, #tpu.memory_space<vmem>>
      %dma_wait3A_1055 = arith.constant 0 : i32
      %dma_wait3A_1056 = tpu.memref_slice %arg4[%add3A_1048, %dma_wait3A_1055] : memref<819200x128xf32, #tpu.memory_space<hbm>> -> memref<128x128xf32, #tpu.memory_space<hbm>>
      %dma_wait3A_1057 = tpu.memref_slice %arg9[%dma_wait3A_1050] : memref<4x!tpu.dma_semaphore, #tpu.memory_space<semaphore_mem>> -> memref<1x!tpu.dma_semaphore, #tpu.memory_space<semaphore_mem>>
      %dma_wait3A_1058 = tpu.memref_squeeze %dma_wait3A_1057 : memref<1x!tpu.dma_semaphore, #tpu.memory_space<semaphore_mem>> -> memref<!tpu.dma_semaphore, #tpu.memory_space<semaphore_mem>>
      %dma_wait3A_1059 = arith.constant 0 : i32
      %dma_wait3A_1060 = tpu.memref_slice %arg4[%add3A_1048, %dma_wait3A_1059] : memref<819200x128xf32, #tpu.memory_space<hbm>> -> memref<128x128xf32, #tpu.memory_space<hbm>>
      %dma_wait3A_1061 = arith.constant 0 : i32
      %dma_wait3A_1062 = arith.constant 0 : i32
      %dma_wait3A_1063 = tpu.memref_slice %arg6[%dma_wait3A_1049, %dma_wait3A_1061, %dma_wait3A_1062] : memref<4x128x128xf32, #tpu.memory_space<vmem>> -> memref<1x128x128xf32, #tpu.memory_space<vmem>>
      %dma_wait3A_1064 = tpu.memref_squeeze %dma_wait3A_1063 : memref<1x128x128xf32, #tpu.memory_space<vmem>> -> memref<128x128xf32, #tpu.memory_space<vmem>>
      tpu.wait_dma2 semaphore(%dma_wait3A_1058 : memref<!tpu.dma_semaphore, #tpu.memory_space<semaphore_mem>>) src(%dma_wait3A_1064 : memref<128x128xf32, #tpu.memory_space<vmem>>) dst(%dma_wait3A_1060 : memref<128x128xf32, #tpu.memory_space<hbm>>)
      %add3A_1065 = arith.constant 4 : i32
      %add3A_1066 = arith.addi %add3A_882, %add3A_1065 : i32
      %dma_start3A_1067 = arith.constant 0 : i32
      %dma_start3A_1068 = arith.constant 0 : i32
      %dma_start3A_1069 = arith.constant 0 : i32
      %dma_start3A_1070 = arith.constant 0 : i32
      %dma_start3A_1071 = tpu.memref_slice %arg6[%dma_start3A_1067, %dma_start3A_1069, %dma_start3A_1070] : memref<4x128x128xf32, #tpu.memory_space<vmem>> -> memref<1x128x128xf32, #tpu.memory_space<vmem>>
      %dma_start3A_1072 = tpu.memref_squeeze %dma_start3A_1071 : memref<1x128x128xf32, #tpu.memory_space<vmem>> -> memref<128x128xf32, #tpu.memory_space<vmem>>
      %dma_start3A_1073 = arith.constant 0 : i32
      %dma_start3A_1074 = tpu.memref_slice %arg5[%add3A_1066, %dma_start3A_1073] : memref<200x128xi32, #tpu.memory_space<vmem>> -> memref<1x128xi32, #tpu.memory_space<vmem>>
      %dma_start3A_1075 = tpu.memref_squeeze %dma_start3A_1074 : memref<1x128xi32, #tpu.memory_space<vmem>> -> memref<128xi32, #tpu.memory_space<vmem>>
      %dma_start3A_1076 = arith.constant 0 : i32
      %dma_start3A_1077 = arith.constant 0 : i32
      %dma_start3A_1078 = tpu.memref_slice %arg7[%dma_start3A_1076, %dma_start3A_1077] : memref<256x128xf32, #tpu.memory_space<vmem_shared>> -> memref<256x128xf32, #tpu.memory_space<vmem_shared>>
      %dma_start3A_1079 = tpu.memref_slice %arg8[%dma_start3A_1068] : memref<4x!tpu.dma_semaphore, #tpu.memory_space<semaphore_mem>> -> memref<1x!tpu.dma_semaphore, #tpu.memory_space<semaphore_mem>>
      %dma_start3A_1080 = tpu.memref_squeeze %dma_start3A_1079 : memref<1x!tpu.dma_semaphore, #tpu.memory_space<semaphore_mem>> -> memref<!tpu.dma_semaphore, #tpu.memory_space<semaphore_mem>>
      tpu.enqueue_indirect_dma source(%dma_start3A_1078 : memref<256x128xf32, #tpu.memory_space<vmem_shared>>) target(%dma_start3A_1072 : memref<128x128xf32, #tpu.memory_space<vmem>>) offsets(%dma_start3A_1075 : memref<128xi32, #tpu.memory_space<vmem>>) semaphore(%dma_start3A_1080 : memref<!tpu.dma_semaphore, #tpu.memory_space<semaphore_mem>>)
      %add3A_1081 = arith.constant 1 : i32
      %add3A_1082 = arith.addi %mul3A_880, %add3A_1081 : i32
      %add3A_1083 = arith.constant 4 : i32
      %add3A_1084 = arith.addi %add3A_1082, %add3A_1083 : i32
      %get3A_1085 = arith.index_cast %add3A_1084 : i32 to index
      %get3A_1086 = arith.constant 0 : index
      %get3A_1087 = tpu.vector_load %arg5[%get3A_1085, %get3A_1086] {strides = array<i32>} : memref<200x128xi32, #tpu.memory_space<vmem>>, vector<1x16xi32>,
      %get3A_1088 = vector.shape_cast %get3A_1087 : vector<1x16xi32> to vector<16xi32>
      %mul3A_1089 = arith.constant 4 : i32
      %mul3A_1090 = vector.broadcast %mul3A_1089 : i32 to vector<16xi32>
      %mul3A_1091 = arith.muli %iota3A, %mul3A_1090 : vector<16xi32>
      %add3A_1092 = arith.constant 0 : i32
      %add3A_1093 = vector.broadcast %add3A_1092 : i32 to vector<16xi32>
      %add3A_1094 = arith.addi %mul3A_1091, %add3A_1093 : vector<16xi32>
      %add3A_1095 = arith.addi %get3A_1088, %add3A_1094 : vector<16xi32>
      %swap3A_1096 = arith.index_cast %add3A_1084 : i32 to index
      %swap3A_1097 = arith.constant 0 : index
      %swap3A_1098 = tpu.vector_load %arg5[%swap3A_1096, %swap3A_1097] {strides = array<i32>} : memref<200x128xi32, #tpu.memory_space<vmem>>, vector<1x16xi32>,
      %swap3A_1099 = vector.shape_cast %swap3A_1098 : vector<1x16xi32> to vector<16xi32>
      %swap3A_1100 = vector.shape_cast %add3A_1095 : vector<16xi32> to vector<1x16xi32>
      tpu.vector_store %arg5[%swap3A_1096, %swap3A_1097], %swap3A_1100 {strides = array<i32>} : memref<200x128xi32, #tpu.memory_space<vmem>>, vector<1x16xi32>,
      %get3A_1101 = arith.index_cast %add3A_1084 : i32 to index
      %get3A_1102 = arith.constant 16 : index
      %get3A_1103 = tpu.vector_load %arg5[%get3A_1101, %get3A_1102] {strides = array<i32>} : memref<200x128xi32, #tpu.memory_space<vmem>>, vector<1x16xi32>,
      %get3A_1104 = vector.shape_cast %get3A_1103 : vector<1x16xi32> to vector<16xi32>
      %mul3A_1105 = arith.constant 4 : i32
      %mul3A_1106 = vector.broadcast %mul3A_1105 : i32 to vector<16xi32>
      %mul3A_1107 = arith.muli %iota3A, %mul3A_1106 : vector<16xi32>
      %add3A_1108 = arith.constant 64 : i32
      %add3A_1109 = vector.broadcast %add3A_1108 : i32 to vector<16xi32>
      %add3A_1110 = arith.addi %mul3A_1107, %add3A_1109 : vector<16xi32>
      %add3A_1111 = arith.addi %get3A_1104, %add3A_1110 : vector<16xi32>
      %swap3A_1112 = arith.index_cast %add3A_1084 : i32 to index
      %swap3A_1113 = arith.constant 16 : index
      %swap3A_1114 = tpu.vector_load %arg5[%swap3A_1112, %swap3A_1113] {strides = array<i32>} : memref<200x128xi32, #tpu.memory_space<vmem>>, vector<1x16xi32>,
      %swap3A_1115 = vector.shape_cast %swap3A_1114 : vector<1x16xi32> to vector<16xi32>
      %swap3A_1116 = vector.shape_cast %add3A_1111 : vector<16xi32> to vector<1x16xi32>
      tpu.vector_store %arg5[%swap3A_1112, %swap3A_1113], %swap3A_1116 {strides = array<i32>} : memref<200x128xi32, #tpu.memory_space<vmem>>, vector<1x16xi32>,
      %get3A_1117 = arith.index_cast %add3A_1084 : i32 to index
      %get3A_1118 = arith.constant 32 : index
      %get3A_1119 = tpu.vector_load %arg5[%get3A_1117, %get3A_1118] {strides = array<i32>} : memref<200x128xi32, #tpu.memory_space<vmem>>, vector<1x16xi32>,
      %get3A_1120 = vector.shape_cast %get3A_1119 : vector<1x16xi32> to vector<16xi32>
      %mul3A_1121 = arith.constant 4 : i32
      %mul3A_1122 = vector.broadcast %mul3A_1121 : i32 to vector<16xi32>
      %mul3A_1123 = arith.muli %iota3A, %mul3A_1122 : vector<16xi32>
      %add3A_1124 = arith.constant 128 : i32
      %add3A_1125 = vector.broadcast %add3A_1124 : i32 to vector<16xi32>
      %add3A_1126 = arith.addi %mul3A_1123, %add3A_1125 : vector<16xi32>
      %add3A_1127 = arith.addi %get3A_1120, %add3A_1126 : vector<16xi32>
      %swap3A_1128 = arith.index_cast %add3A_1084 : i32 to index
      %swap3A_1129 = arith.constant 32 : index
      %swap3A_1130 = tpu.vector_load %arg5[%swap3A_1128, %swap3A_1129] {strides = array<i32>} : memref<200x128xi32, #tpu.memory_space<vmem>>, vector<1x16xi32>,
      %swap3A_1131 = vector.shape_cast %swap3A_1130 : vector<1x16xi32> to vector<16xi32>
      %swap3A_1132 = vector.shape_cast %add3A_1127 : vector<16xi32> to vector<1x16xi32>
      tpu.vector_store %arg5[%swap3A_1128, %swap3A_1129], %swap3A_1132 {strides = array<i32>} : memref<200x128xi32, #tpu.memory_space<vmem>>, vector<1x16xi32>,
      %get3A_1133 = arith.index_cast %add3A_1084 : i32 to index
      %get3A_1134 = arith.constant 48 : index
      %get3A_1135 = tpu.vector_load %arg5[%get3A_1133, %get3A_1134] {strides = array<i32>} : memref<200x128xi32, #tpu.memory_space<vmem>>, vector<1x16xi32>,
      %get3A_1136 = vector.shape_cast %get3A_1135 : vector<1x16xi32> to vector<16xi32>
      %mul3A_1137 = arith.constant 4 : i32
      %mul3A_1138 = vector.broadcast %mul3A_1137 : i32 to vector<16xi32>
      %mul3A_1139 = arith.muli %iota3A, %mul3A_1138 : vector<16xi32>
      %add3A_1140 = arith.constant 192 : i32
      %add3A_1141 = vector.broadcast %add3A_1140 : i32 to vector<16xi32>
      %add3A_1142 = arith.addi %mul3A_1139, %add3A_1141 : vector<16xi32>
      %add3A_1143 = arith.addi %get3A_1136, %add3A_1142 : vector<16xi32>
      %swap3A_1144 = arith.index_cast %add3A_1084 : i32 to index
      %swap3A_1145 = arith.constant 48 : index
      %swap3A_1146 = tpu.vector_load %arg5[%swap3A_1144, %swap3A_1145] {strides = array<i32>} : memref<200x128xi32, #tpu.memory_space<vmem>>, vector<1x16xi32>,
      %swap3A_1147 = vector.shape_cast %swap3A_1146 : vector<1x16xi32> to vector<16xi32>
      %swap3A_1148 = vector.shape_cast %add3A_1143 : vector<16xi32> to vector<1x16xi32>
      tpu.vector_store %arg5[%swap3A_1144, %swap3A_1145], %swap3A_1148 {strides = array<i32>} : memref<200x128xi32, #tpu.memory_space<vmem>>, vector<1x16xi32>,
      %get3A_1149 = arith.index_cast %add3A_1084 : i32 to index
      %get3A_1150 = arith.constant 64 : index
      %get3A_1151 = tpu.vector_load %arg5[%get3A_1149, %get3A_1150] {strides = array<i32>} : memref<200x128xi32, #tpu.memory_space<vmem>>, vector<1x16xi32>,
      %get3A_1152 = vector.shape_cast %get3A_1151 : vector<1x16xi32> to vector<16xi32>
      %mul3A_1153 = arith.constant 4 : i32
      %mul3A_1154 = vector.broadcast %mul3A_1153 : i32 to vector<16xi32>
      %mul3A_1155 = arith.muli %iota3A, %mul3A_1154 : vector<16xi32>
      %add3A_1156 = arith.constant 0 : i32
      %add3A_1157 = vector.broadcast %add3A_1156 : i32 to vector<16xi32>
      %add3A_1158 = arith.addi %mul3A_1155, %add3A_1157 : vector<16xi32>
      %add3A_1159 = arith.addi %get3A_1152, %add3A_1158 : vector<16xi32>
      %swap3A_1160 = arith.index_cast %add3A_1084 : i32 to index
      %swap3A_1161 = arith.constant 64 : index
      %swap3A_1162 = tpu.vector_load %arg5[%swap3A_1160, %swap3A_1161] {strides = array<i32>} : memref<200x128xi32, #tpu.memory_space<vmem>>, vector<1x16xi32>,
      %swap3A_1163 = vector.shape_cast %swap3A_1162 : vector<1x16xi32> to vector<16xi32>
      %swap3A_1164 = vector.shape_cast %add3A_1159 : vector<16xi32> to vector<1x16xi32>
      tpu.vector_store %arg5[%swap3A_1160, %swap3A_1161], %swap3A_1164 {strides = array<i32>} : memref<200x128xi32, #tpu.memory_space<vmem>>, vector<1x16xi32>,
      %get3A_1165 = arith.index_cast %add3A_1084 : i32 to index
      %get3A_1166 = arith.constant 80 : index
      %get3A_1167 = tpu.vector_load %arg5[%get3A_1165, %get3A_1166] {strides = array<i32>} : memref<200x128xi32, #tpu.memory_space<vmem>>, vector<1x16xi32>,
      %get3A_1168 = vector.shape_cast %get3A_1167 : vector<1x16xi32> to vector<16xi32>
      %mul3A_1169 = arith.constant 4 : i32
      %mul3A_1170 = vector.broadcast %mul3A_1169 : i32 to vector<16xi32>
      %mul3A_1171 = arith.muli %iota3A, %mul3A_1170 : vector<16xi32>
      %add3A_1172 = arith.constant 64 : i32
      %add3A_1173 = vector.broadcast %add3A_1172 : i32 to vector<16xi32>
      %add3A_1174 = arith.addi %mul3A_1171, %add3A_1173 : vector<16xi32>
      %add3A_1175 = arith.addi %get3A_1168, %add3A_1174 : vector<16xi32>
      %swap3A_1176 = arith.index_cast %add3A_1084 : i32 to index
      %swap3A_1177 = arith.constant 80 : index
      %swap3A_1178 = tpu.vector_load %arg5[%swap3A_1176, %swap3A_1177] {strides = array<i32>} : memref<200x128xi32, #tpu.memory_space<vmem>>, vector<1x16xi32>,
      %swap3A_1179 = vector.shape_cast %swap3A_1178 : vector<1x16xi32> to vector<16xi32>
      %swap3A_1180 = vector.shape_cast %add3A_1175 : vector<16xi32> to vector<1x16xi32>
      tpu.vector_store %arg5[%swap3A_1176, %swap3A_1177], %swap3A_1180 {strides = array<i32>} : memref<200x128xi32, #tpu.memory_space<vmem>>, vector<1x16xi32>,
      %get3A_1181 = arith.index_cast %add3A_1084 : i32 to index
      %get3A_1182 = arith.constant 96 : index
      %get3A_1183 = tpu.vector_load %arg5[%get3A_1181, %get3A_1182] {strides = array<i32>} : memref<200x128xi32, #tpu.memory_space<vmem>>, vector<1x16xi32>,
      %get3A_1184 = vector.shape_cast %get3A_1183 : vector<1x16xi32> to vector<16xi32>
      %mul3A_1185 = arith.constant 4 : i32
      %mul3A_1186 = vector.broadcast %mul3A_1185 : i32 to vector<16xi32>
      %mul3A_1187 = arith.muli %iota3A, %mul3A_1186 : vector<16xi32>
      %add3A_1188 = arith.constant 128 : i32
      %add3A_1189 = vector.broadcast %add3A_1188 : i32 to vector<16xi32>
      %add3A_1190 = arith.addi %mul3A_1187, %add3A_1189 : vector<16xi32>
      %add3A_1191 = arith.addi %get3A_1184, %add3A_1190 : vector<16xi32>
      %swap3A_1192 = arith.index_cast %add3A_1084 : i32 to index
      %swap3A_1193 = arith.constant 96 : index
      %swap3A_1194 = tpu.vector_load %arg5[%swap3A_1192, %swap3A_1193] {strides = array<i32>} : memref<200x128xi32, #tpu.memory_space<vmem>>, vector<1x16xi32>,
      %swap3A_1195 = vector.shape_cast %swap3A_1194 : vector<1x16xi32> to vector<16xi32>
      %swap3A_1196 = vector.shape_cast %add3A_1191 : vector<16xi32> to vector<1x16xi32>
      tpu.vector_store %arg5[%swap3A_1192, %swap3A_1193], %swap3A_1196 {strides = array<i32>} : memref<200x128xi32, #tpu.memory_space<vmem>>, vector<1x16xi32>,
      %get3A_1197 = arith.index_cast %add3A_1084 : i32 to index
      %get3A_1198 = arith.constant 112 : index
      %get3A_1199 = tpu.vector_load %arg5[%get3A_1197, %get3A_1198] {strides = array<i32>} : memref<200x128xi32, #tpu.memory_space<vmem>>, vector<1x16xi32>,
      %get3A_1200 = vector.shape_cast %get3A_1199 : vector<1x16xi32> to vector<16xi32>
      %mul3A_1201 = arith.constant 4 : i32
      %mul3A_1202 = vector.broadcast %mul3A_1201 : i32 to vector<16xi32>
      %mul3A_1203 = arith.muli %iota3A, %mul3A_1202 : vector<16xi32>
      %add3A_1204 = arith.constant 192 : i32
      %add3A_1205 = vector.broadcast %add3A_1204 : i32 to vector<16xi32>
      %add3A_1206 = arith.addi %mul3A_1203, %add3A_1205 : vector<16xi32>
      %add3A_1207 = arith.addi %get3A_1200, %add3A_1206 : vector<16xi32>
      %swap3A_1208 = arith.index_cast %add3A_1084 : i32 to index
      %swap3A_1209 = arith.constant 112 : index
      %swap3A_1210 = tpu.vector_load %arg5[%swap3A_1208, %swap3A_1209] {strides = array<i32>} : memref<200x128xi32, #tpu.memory_space<vmem>>, vector<1x16xi32>,
      %swap3A_1211 = vector.shape_cast %swap3A_1210 : vector<1x16xi32> to vector<16xi32>
      %swap3A_1212 = vector.shape_cast %add3A_1207 : vector<16xi32> to vector<1x16xi32>
      tpu.vector_store %arg5[%swap3A_1208, %swap3A_1209], %swap3A_1212 {strides = array<i32>} : memref<200x128xi32, #tpu.memory_space<vmem>>, vector<1x16xi32>,
      %dma_wait3A_1213 = arith.constant 1 : i32
      %dma_wait3A_1214 = arith.constant 1 : i32
      %dma_wait3A_1215 = arith.constant 0 : i32
      %dma_wait3A_1216 = arith.constant 0 : i32
      %dma_wait3A_1217 = tpu.memref_slice %arg6[%dma_wait3A_1213, %dma_wait3A_1215, %dma_wait3A_1216] : memref<4x128x128xf32, #tpu.memory_space<vmem>> -> memref<1x128x128xf32, #tpu.memory_space<vmem>>
      %dma_wait3A_1218 = tpu.memref_squeeze %dma_wait3A_1217 : memref<1x128x128xf32, #tpu.memory_space<vmem>> -> memref<128x128xf32, #tpu.memory_space<vmem>>
      %dma_wait3A_1219 = arith.constant 0 : i32
      %dma_wait3A_1220 = tpu.memref_slice %arg5[%add3A_1082, %dma_wait3A_1219] : memref<200x128xi32, #tpu.memory_space<vmem>> -> memref<1x128xi32, #tpu.memory_space<vmem>>
      %dma_wait3A_1221 = tpu.memref_squeeze %dma_wait3A_1220 : memref<1x128xi32, #tpu.memory_space<vmem>> -> memref<128xi32, #tpu.memory_space<vmem>>
      %dma_wait3A_1222 = arith.constant 0 : i32
      %dma_wait3A_1223 = arith.constant 0 : i32
      %dma_wait3A_1224 = tpu.memref_slice %arg7[%dma_wait3A_1222, %dma_wait3A_1223] : memref<256x128xf32, #tpu.memory_space<vmem_shared>> -> memref<256x128xf32, #tpu.memory_space<vmem_shared>>
      %dma_wait3A_1225 = tpu.memref_slice %arg8[%dma_wait3A_1214] : memref<4x!tpu.dma_semaphore, #tpu.memory_space<semaphore_mem>> -> memref<1x!tpu.dma_semaphore, #tpu.memory_space<semaphore_mem>>
      %dma_wait3A_1226 = tpu.memref_squeeze %dma_wait3A_1225 : memref<1x!tpu.dma_semaphore, #tpu.memory_space<semaphore_mem>> -> memref<!tpu.dma_semaphore, #tpu.memory_space<semaphore_mem>>
      tpu.wait_indirect_dma semaphore(%dma_wait3A_1226 : memref<!tpu.dma_semaphore, #tpu.memory_space<semaphore_mem>>) src(%dma_wait3A_1224 : memref<256x128xf32, #tpu.memory_space<vmem_shared>>) dst(%dma_wait3A_1218 : memref<128x128xf32, #tpu.memory_space<vmem>>)
      %mul3A_1227 = arith.constant 128 : i32
      %mul3A_1228 = arith.muli %add3A_1082, %mul3A_1227 : i32
      %add3A_1229 = arith.addi %mul3A_2, %mul3A_1228 : i32
      %dma_start3A_1230 = arith.constant 1 : i32
      %dma_start3A_1231 = arith.constant 1 : i32
      %dma_start3A_1232 = arith.constant 0 : i32
      %dma_start3A_1233 = arith.constant 0 : i32
      %dma_start3A_1234 = tpu.memref_slice %arg6[%dma_start3A_1230, %dma_start3A_1232, %dma_start3A_1233] : memref<4x128x128xf32, #tpu.memory_space<vmem>> -> memref<1x128x128xf32, #tpu.memory_space<vmem>>
      %dma_start3A_1235 = tpu.memref_squeeze %dma_start3A_1234 : memref<1x128x128xf32, #tpu.memory_space<vmem>> -> memref<128x128xf32, #tpu.memory_space<vmem>>
      %dma_start3A_1236 = arith.constant 0 : i32
      %dma_start3A_1237 = tpu.memref_slice %arg4[%add3A_1229, %dma_start3A_1236] : memref<819200x128xf32, #tpu.memory_space<hbm>> -> memref<128x128xf32, #tpu.memory_space<hbm>>
      %dma_start3A_1238 = tpu.memref_slice %arg9[%dma_start3A_1231] : memref<4x!tpu.dma_semaphore, #tpu.memory_space<semaphore_mem>> -> memref<1x!tpu.dma_semaphore, #tpu.memory_space<semaphore_mem>>
      %dma_start3A_1239 = tpu.memref_squeeze %dma_start3A_1238 : memref<1x!tpu.dma_semaphore, #tpu.memory_space<semaphore_mem>> -> memref<!tpu.dma_semaphore, #tpu.memory_space<semaphore_mem>>
      %dma_start3A_1240 = arith.constant 0 : i32
      %dma_start3A_1241 = tpu.memref_slice %arg4[%add3A_1229, %dma_start3A_1240] : memref<819200x128xf32, #tpu.memory_space<hbm>> -> memref<128x128xf32, #tpu.memory_space<hbm>>
      %dma_start3A_1242 = arith.constant 0 : i32
      %dma_start3A_1243 = arith.constant 0 : i32
      %dma_start3A_1244 = tpu.memref_slice %arg6[%dma_start3A_1230, %dma_start3A_1242, %dma_start3A_1243] : memref<4x128x128xf32, #tpu.memory_space<vmem>> -> memref<1x128x128xf32, #tpu.memory_space<vmem>>
      %dma_start3A_1245 = tpu.memref_squeeze %dma_start3A_1244 : memref<1x128x128xf32, #tpu.memory_space<vmem>> -> memref<128x128xf32, #tpu.memory_space<vmem>>
      tpu.enqueue_dma source(%dma_start3A_1245 : memref<128x128xf32, #tpu.memory_space<vmem>>) target(%dma_start3A_1241 : memref<128x128xf32, #tpu.memory_space<hbm>>) target_semaphore(%dma_start3A_1239 : memref<!tpu.dma_semaphore, #tpu.memory_space<semaphore_mem>>)
      %mul3A_1246 = arith.constant 128 : i32
      %mul3A_1247 = arith.muli %add3A_1082, %mul3A_1246 : i32
      %add3A_1248 = arith.addi %mul3A_2, %mul3A_1247 : i32
      %dma_wait3A_1249 = arith.constant 1 : i32
      %dma_wait3A_1250 = arith.constant 1 : i32
      %dma_wait3A_1251 = arith.constant 0 : i32
      %dma_wait3A_1252 = arith.constant 0 : i32
      %dma_wait3A_1253 = tpu.memref_slice %arg6[%dma_wait3A_1249, %dma_wait3A_1251, %dma_wait3A_1252] : memref<4x128x128xf32, #tpu.memory_space<vmem>> -> memref<1x128x128xf32, #tpu.memory_space<vmem>>
      %dma_wait3A_1254 = tpu.memref_squeeze %dma_wait3A_1253 : memref<1x128x128xf32, #tpu.memory_space<vmem>> -> memref<128x128xf32, #tpu.memory_space<vmem>>
      %dma_wait3A_1255 = arith.constant 0 : i32
      %dma_wait3A_1256 = tpu.memref_slice %arg4[%add3A_1248, %dma_wait3A_1255] : memref<819200x128xf32, #tpu.memory_space<hbm>> -> memref<128x128xf32, #tpu.memory_space<hbm>>
      %dma_wait3A_1257 = tpu.memref_slice %arg9[%dma_wait3A_1250] : memref<4x!tpu.dma_semaphore, #tpu.memory_space<semaphore_mem>> -> memref<1x!tpu.dma_semaphore, #tpu.memory_space<semaphore_mem>>
      %dma_wait3A_1258 = tpu.memref_squeeze %dma_wait3A_1257 : memref<1x!tpu.dma_semaphore, #tpu.memory_space<semaphore_mem>> -> memref<!tpu.dma_semaphore, #tpu.memory_space<semaphore_mem>>
      %dma_wait3A_1259 = arith.constant 0 : i32
      %dma_wait3A_1260 = tpu.memref_slice %arg4[%add3A_1248, %dma_wait3A_1259] : memref<819200x128xf32, #tpu.memory_space<hbm>> -> memref<128x128xf32, #tpu.memory_space<hbm>>
      %dma_wait3A_1261 = arith.constant 0 : i32
      %dma_wait3A_1262 = arith.constant 0 : i32
      %dma_wait3A_1263 = tpu.memref_slice %arg6[%dma_wait3A_1249, %dma_wait3A_1261, %dma_wait3A_1262] : memref<4x128x128xf32, #tpu.memory_space<vmem>> -> memref<1x128x128xf32, #tpu.memory_space<vmem>>
      %dma_wait3A_1264 = tpu.memref_squeeze %dma_wait3A_1263 : memref<1x128x128xf32, #tpu.memory_space<vmem>> -> memref<128x128xf32, #tpu.memory_space<vmem>>
      tpu.wait_dma2 semaphore(%dma_wait3A_1258 : memref<!tpu.dma_semaphore, #tpu.memory_space<semaphore_mem>>) src(%dma_wait3A_1264 : memref<128x128xf32, #tpu.memory_space<vmem>>) dst(%dma_wait3A_1260 : memref<128x128xf32, #tpu.memory_space<hbm>>)
      %add3A_1265 = arith.constant 4 : i32
      %add3A_1266 = arith.addi %add3A_1082, %add3A_1265 : i32
      %dma_start3A_1267 = arith.constant 1 : i32
      %dma_start3A_1268 = arith.constant 1 : i32
      %dma_start3A_1269 = arith.constant 0 : i32
      %dma_start3A_1270 = arith.constant 0 : i32
      %dma_start3A_1271 = tpu.memref_slice %arg6[%dma_start3A_1267, %dma_start3A_1269, %dma_start3A_1270] : memref<4x128x128xf32, #tpu.memory_space<vmem>> -> memref<1x128x128xf32, #tpu.memory_space<vmem>>
      %dma_start3A_1272 = tpu.memref_squeeze %dma_start3A_1271 : memref<1x128x128xf32, #tpu.memory_space<vmem>> -> memref<128x128xf32, #tpu.memory_space<vmem>>
      %dma_start3A_1273 = arith.constant 0 : i32
      %dma_start3A_1274 = tpu.memref_slice %arg5[%add3A_1266, %dma_start3A_1273] : memref<200x128xi32, #tpu.memory_space<vmem>> -> memref<1x128xi32, #tpu.memory_space<vmem>>
      %dma_start3A_1275 = tpu.memref_squeeze %dma_start3A_1274 : memref<1x128xi32, #tpu.memory_space<vmem>> -> memref<128xi32, #tpu.memory_space<vmem>>
      %dma_start3A_1276 = arith.constant 0 : i32
      %dma_start3A_1277 = arith.constant 0 : i32
      %dma_start3A_1278 = tpu.memref_slice %arg7[%dma_start3A_1276, %dma_start3A_1277] : memref<256x128xf32, #tpu.memory_space<vmem_shared>> -> memref<256x128xf32, #tpu.memory_space<vmem_shared>>
      %dma_start3A_1279 = tpu.memref_slice %arg8[%dma_start3A_1268] : memref<4x!tpu.dma_semaphore, #tpu.memory_space<semaphore_mem>> -> memref<1x!tpu.dma_semaphore, #tpu.memory_space<semaphore_mem>>
      %dma_start3A_1280 = tpu.memref_squeeze %dma_start3A_1279 : memref<1x!tpu.dma_semaphore, #tpu.memory_space<semaphore_mem>> -> memref<!tpu.dma_semaphore, #tpu.memory_space<semaphore_mem>>
      tpu.enqueue_indirect_dma source(%dma_start3A_1278 : memref<256x128xf32, #tpu.memory_space<vmem_shared>>) target(%dma_start3A_1272 : memref<128x128xf32, #tpu.memory_space<vmem>>) offsets(%dma_start3A_1275 : memref<128xi32, #tpu.memory_space<vmem>>) semaphore(%dma_start3A_1280 : memref<!tpu.dma_semaphore, #tpu.memory_space<semaphore_mem>>)
      %add3A_1281 = arith.constant 2 : i32
      %add3A_1282 = arith.addi %mul3A_880, %add3A_1281 : i32
      %add3A_1283 = arith.constant 4 : i32
      %add3A_1284 = arith.addi %add3A_1282, %add3A_1283 : i32
      %get3A_1285 = arith.index_cast %add3A_1284 : i32 to index
      %get3A_1286 = arith.constant 0 : index
      %get3A_1287 = tpu.vector_load %arg5[%get3A_1285, %get3A_1286] {strides = array<i32>} : memref<200x128xi32, #tpu.memory_space<vmem>>, vector<1x16xi32>,
      %get3A_1288 = vector.shape_cast %get3A_1287 : vector<1x16xi32> to vector<16xi32>
      %mul3A_1289 = arith.constant 4 : i32
      %mul3A_1290 = vector.broadcast %mul3A_1289 : i32 to vector<16xi32>
      %mul3A_1291 = arith.muli %iota3A, %mul3A_1290 : vector<16xi32>
      %add3A_1292 = arith.constant 0 : i32
      %add3A_1293 = vector.broadcast %add3A_1292 : i32 to vector<16xi32>
      %add3A_1294 = arith.addi %mul3A_1291, %add3A_1293 : vector<16xi32>
      %add3A_1295 = arith.addi %get3A_1288, %add3A_1294 : vector<16xi32>
      %swap3A_1296 = arith.index_cast %add3A_1284 : i32 to index
      %swap3A_1297 = arith.constant 0 : index
      %swap3A_1298 = tpu.vector_load %arg5[%swap3A_1296, %swap3A_1297] {strides = array<i32>} : memref<200x128xi32, #tpu.memory_space<vmem>>, vector<1x16xi32>,
      %swap3A_1299 = vector.shape_cast %swap3A_1298 : vector<1x16xi32> to vector<16xi32>
      %swap3A_1300 = vector.shape_cast %add3A_1295 : vector<16xi32> to vector<1x16xi32>
      tpu.vector_store %arg5[%swap3A_1296, %swap3A_1297], %swap3A_1300 {strides = array<i32>} : memref<200x128xi32, #tpu.memory_space<vmem>>, vector<1x16xi32>,
      %get3A_1301 = arith.index_cast %add3A_1284 : i32 to index
      %get3A_1302 = arith.constant 16 : index
      %get3A_1303 = tpu.vector_load %arg5[%get3A_1301, %get3A_1302] {strides = array<i32>} : memref<200x128xi32, #tpu.memory_space<vmem>>, vector<1x16xi32>,
      %get3A_1304 = vector.shape_cast %get3A_1303 : vector<1x16xi32> to vector<16xi32>
      %mul3A_1305 = arith.constant 4 : i32
      %mul3A_1306 = vector.broadcast %mul3A_1305 : i32 to vector<16xi32>
      %mul3A_1307 = arith.muli %iota3A, %mul3A_1306 : vector<16xi32>
      %add3A_1308 = arith.constant 64 : i32
      %add3A_1309 = vector.broadcast %add3A_1308 : i32 to vector<16xi32>
      %add3A_1310 = arith.addi %mul3A_1307, %add3A_1309 : vector<16xi32>
      %add3A_1311 = arith.addi %get3A_1304, %add3A_1310 : vector<16xi32>
      %swap3A_1312 = arith.index_cast %add3A_1284 : i32 to index
      %swap3A_1313 = arith.constant 16 : index
      %swap3A_1314 = tpu.vector_load %arg5[%swap3A_1312, %swap3A_1313] {strides = array<i32>} : memref<200x128xi32, #tpu.memory_space<vmem>>, vector<1x16xi32>,
      %swap3A_1315 = vector.shape_cast %swap3A_1314 : vector<1x16xi32> to vector<16xi32>
      %swap3A_1316 = vector.shape_cast %add3A_1311 : vector<16xi32> to vector<1x16xi32>
      tpu.vector_store %arg5[%swap3A_1312, %swap3A_1313], %swap3A_1316 {strides = array<i32>} : memref<200x128xi32, #tpu.memory_space<vmem>>, vector<1x16xi32>,
      %get3A_1317 = arith.index_cast %add3A_1284 : i32 to index
      %get3A_1318 = arith.constant 32 : index
      %get3A_1319 = tpu.vector_load %arg5[%get3A_1317, %get3A_1318] {strides = array<i32>} : memref<200x128xi32, #tpu.memory_space<vmem>>, vector<1x16xi32>,
      %get3A_1320 = vector.shape_cast %get3A_1319 : vector<1x16xi32> to vector<16xi32>
      %mul3A_1321 = arith.constant 4 : i32
      %mul3A_1322 = vector.broadcast %mul3A_1321 : i32 to vector<16xi32>
      %mul3A_1323 = arith.muli %iota3A, %mul3A_1322 : vector<16xi32>
      %add3A_1324 = arith.constant 128 : i32
      %add3A_1325 = vector.broadcast %add3A_1324 : i32 to vector<16xi32>
      %add3A_1326 = arith.addi %mul3A_1323, %add3A_1325 : vector<16xi32>
      %add3A_1327 = arith.addi %get3A_1320, %add3A_1326 : vector<16xi32>
      %swap3A_1328 = arith.index_cast %add3A_1284 : i32 to index
      %swap3A_1329 = arith.constant 32 : index
      %swap3A_1330 = tpu.vector_load %arg5[%swap3A_1328, %swap3A_1329] {strides = array<i32>} : memref<200x128xi32, #tpu.memory_space<vmem>>, vector<1x16xi32>,
      %swap3A_1331 = vector.shape_cast %swap3A_1330 : vector<1x16xi32> to vector<16xi32>
      %swap3A_1332 = vector.shape_cast %add3A_1327 : vector<16xi32> to vector<1x16xi32>
      tpu.vector_store %arg5[%swap3A_1328, %swap3A_1329], %swap3A_1332 {strides = array<i32>} : memref<200x128xi32, #tpu.memory_space<vmem>>, vector<1x16xi32>,
      %get3A_1333 = arith.index_cast %add3A_1284 : i32 to index
      %get3A_1334 = arith.constant 48 : index
      %get3A_1335 = tpu.vector_load %arg5[%get3A_1333, %get3A_1334] {strides = array<i32>} : memref<200x128xi32, #tpu.memory_space<vmem>>, vector<1x16xi32>,
      %get3A_1336 = vector.shape_cast %get3A_1335 : vector<1x16xi32> to vector<16xi32>
      %mul3A_1337 = arith.constant 4 : i32
      %mul3A_1338 = vector.broadcast %mul3A_1337 : i32 to vector<16xi32>
      %mul3A_1339 = arith.muli %iota3A, %mul3A_1338 : vector<16xi32>
      %add3A_1340 = arith.constant 192 : i32
      %add3A_1341 = vector.broadcast %add3A_1340 : i32 to vector<16xi32>
      %add3A_1342 = arith.addi %mul3A_1339, %add3A_1341 : vector<16xi32>
      %add3A_1343 = arith.addi %get3A_1336, %add3A_1342 : vector<16xi32>
      %swap3A_1344 = arith.index_cast %add3A_1284 : i32 to index
      %swap3A_1345 = arith.constant 48 : index
      %swap3A_1346 = tpu.vector_load %arg5[%swap3A_1344, %swap3A_1345] {strides = array<i32>} : memref<200x128xi32, #tpu.memory_space<vmem>>, vector<1x16xi32>,
      %swap3A_1347 = vector.shape_cast %swap3A_1346 : vector<1x16xi32> to vector<16xi32>
      %swap3A_1348 = vector.shape_cast %add3A_1343 : vector<16xi32> to vector<1x16xi32>
      tpu.vector_store %arg5[%swap3A_1344, %swap3A_1345], %swap3A_1348 {strides = array<i32>} : memref<200x128xi32, #tpu.memory_space<vmem>>, vector<1x16xi32>,
      %get3A_1349 = arith.index_cast %add3A_1284 : i32 to index
      %get3A_1350 = arith.constant 64 : index
      %get3A_1351 = tpu.vector_load %arg5[%get3A_1349, %get3A_1350] {strides = array<i32>} : memref<200x128xi32, #tpu.memory_space<vmem>>, vector<1x16xi32>,
      %get3A_1352 = vector.shape_cast %get3A_1351 : vector<1x16xi32> to vector<16xi32>
      %mul3A_1353 = arith.constant 4 : i32
      %mul3A_1354 = vector.broadcast %mul3A_1353 : i32 to vector<16xi32>
      %mul3A_1355 = arith.muli %iota3A, %mul3A_1354 : vector<16xi32>
      %add3A_1356 = arith.constant 0 : i32
      %add3A_1357 = vector.broadcast %add3A_1356 : i32 to vector<16xi32>
      %add3A_1358 = arith.addi %mul3A_1355, %add3A_1357 : vector<16xi32>
      %add3A_1359 = arith.addi %get3A_1352, %add3A_1358 : vector<16xi32>
      %swap3A_1360 = arith.index_cast %add3A_1284 : i32 to index
      %swap3A_1361 = arith.constant 64 : index
      %swap3A_1362 = tpu.vector_load %arg5[%swap3A_1360, %swap3A_1361] {strides = array<i32>} : memref<200x128xi32, #tpu.memory_space<vmem>>, vector<1x16xi32>,
      %swap3A_1363 = vector.shape_cast %swap3A_1362 : vector<1x16xi32> to vector<16xi32>
      %swap3A_1364 = vector.shape_cast %add3A_1359 : vector<16xi32> to vector<1x16xi32>
      tpu.vector_store %arg5[%swap3A_1360, %swap3A_1361], %swap3A_1364 {strides = array<i32>} : memref<200x128xi32, #tpu.memory_space<vmem>>, vector<1x16xi32>,
      %get3A_1365 = arith.index_cast %add3A_1284 : i32 to index
      %get3A_1366 = arith.constant 80 : index
      %get3A_1367 = tpu.vector_load %arg5[%get3A_1365, %get3A_1366] {strides = array<i32>} : memref<200x128xi32, #tpu.memory_space<vmem>>, vector<1x16xi32>,
      %get3A_1368 = vector.shape_cast %get3A_1367 : vector<1x16xi32> to vector<16xi32>
      %mul3A_1369 = arith.constant 4 : i32
      %mul3A_1370 = vector.broadcast %mul3A_1369 : i32 to vector<16xi32>
      %mul3A_1371 = arith.muli %iota3A, %mul3A_1370 : vector<16xi32>
      %add3A_1372 = arith.constant 64 : i32
      %add3A_1373 = vector.broadcast %add3A_1372 : i32 to vector<16xi32>
      %add3A_1374 = arith.addi %mul3A_1371, %add3A_1373 : vector<16xi32>
      %add3A_1375 = arith.addi %get3A_1368, %add3A_1374 : vector<16xi32>
      %swap3A_1376 = arith.index_cast %add3A_1284 : i32 to index
      %swap3A_1377 = arith.constant 80 : index
      %swap3A_1378 = tpu.vector_load %arg5[%swap3A_1376, %swap3A_1377] {strides = array<i32>} : memref<200x128xi32, #tpu.memory_space<vmem>>, vector<1x16xi32>,
      %swap3A_1379 = vector.shape_cast %swap3A_1378 : vector<1x16xi32> to vector<16xi32>
      %swap3A_1380 = vector.shape_cast %add3A_1375 : vector<16xi32> to vector<1x16xi32>
      tpu.vector_store %arg5[%swap3A_1376, %swap3A_1377], %swap3A_1380 {strides = array<i32>} : memref<200x128xi32, #tpu.memory_space<vmem>>, vector<1x16xi32>,
      %get3A_1381 = arith.index_cast %add3A_1284 : i32 to index
      %get3A_1382 = arith.constant 96 : index
      %get3A_1383 = tpu.vector_load %arg5[%get3A_1381, %get3A_1382] {strides = array<i32>} : memref<200x128xi32, #tpu.memory_space<vmem>>, vector<1x16xi32>,
      %get3A_1384 = vector.shape_cast %get3A_1383 : vector<1x16xi32> to vector<16xi32>
      %mul3A_1385 = arith.constant 4 : i32
      %mul3A_1386 = vector.broadcast %mul3A_1385 : i32 to vector<16xi32>
      %mul3A_1387 = arith.muli %iota3A, %mul3A_1386 : vector<16xi32>
      %add3A_1388 = arith.constant 128 : i32
      %add3A_1389 = vector.broadcast %add3A_1388 : i32 to vector<16xi32>
      %add3A_1390 = arith.addi %mul3A_1387, %add3A_1389 : vector<16xi32>
      %add3A_1391 = arith.addi %get3A_1384, %add3A_1390 : vector<16xi32>
      %swap3A_1392 = arith.index_cast %add3A_1284 : i32 to index
      %swap3A_1393 = arith.constant 96 : index
      %swap3A_1394 = tpu.vector_load %arg5[%swap3A_1392, %swap3A_1393] {strides = array<i32>} : memref<200x128xi32, #tpu.memory_space<vmem>>, vector<1x16xi32>,
      %swap3A_1395 = vector.shape_cast %swap3A_1394 : vector<1x16xi32> to vector<16xi32>
      %swap3A_1396 = vector.shape_cast %add3A_1391 : vector<16xi32> to vector<1x16xi32>
      tpu.vector_store %arg5[%swap3A_1392, %swap3A_1393], %swap3A_1396 {strides = array<i32>} : memref<200x128xi32, #tpu.memory_space<vmem>>, vector<1x16xi32>,
      %get3A_1397 = arith.index_cast %add3A_1284 : i32 to index
      %get3A_1398 = arith.constant 112 : index
      %get3A_1399 = tpu.vector_load %arg5[%get3A_1397, %get3A_1398] {strides = array<i32>} : memref<200x128xi32, #tpu.memory_space<vmem>>, vector<1x16xi32>,
      %get3A_1400 = vector.shape_cast %get3A_1399 : vector<1x16xi32> to vector<16xi32>
      %mul3A_1401 = arith.constant 4 : i32
      %mul3A_1402 = vector.broadcast %mul3A_1401 : i32 to vector<16xi32>
      %mul3A_1403 = arith.muli %iota3A, %mul3A_1402 : vector<16xi32>
      %add3A_1404 = arith.constant 192 : i32
      %add3A_1405 = vector.broadcast %add3A_1404 : i32 to vector<16xi32>
      %add3A_1406 = arith.addi %mul3A_1403, %add3A_1405 : vector<16xi32>
      %add3A_1407 = arith.addi %get3A_1400, %add3A_1406 : vector<16xi32>
      %swap3A_1408 = arith.index_cast %add3A_1284 : i32 to index
      %swap3A_1409 = arith.constant 112 : index
      %swap3A_1410 = tpu.vector_load %arg5[%swap3A_1408, %swap3A_1409] {strides = array<i32>} : memref<200x128xi32, #tpu.memory_space<vmem>>, vector<1x16xi32>,
      %swap3A_1411 = vector.shape_cast %swap3A_1410 : vector<1x16xi32> to vector<16xi32>
      %swap3A_1412 = vector.shape_cast %add3A_1407 : vector<16xi32> to vector<1x16xi32>
      tpu.vector_store %arg5[%swap3A_1408, %swap3A_1409], %swap3A_1412 {strides = array<i32>} : memref<200x128xi32, #tpu.memory_space<vmem>>, vector<1x16xi32>,
      %dma_wait3A_1413 = arith.constant 2 : i32
      %dma_wait3A_1414 = arith.constant 2 : i32
      %dma_wait3A_1415 = arith.constant 0 : i32
      %dma_wait3A_1416 = arith.constant 0 : i32
      %dma_wait3A_1417 = tpu.memref_slice %arg6[%dma_wait3A_1413, %dma_wait3A_1415, %dma_wait3A_1416] : memref<4x128x128xf32, #tpu.memory_space<vmem>> -> memref<1x128x128xf32, #tpu.memory_space<vmem>>
      %dma_wait3A_1418 = tpu.memref_squeeze %dma_wait3A_1417 : memref<1x128x128xf32, #tpu.memory_space<vmem>> -> memref<128x128xf32, #tpu.memory_space<vmem>>
      %dma_wait3A_1419 = arith.constant 0 : i32
      %dma_wait3A_1420 = tpu.memref_slice %arg5[%add3A_1282, %dma_wait3A_1419] : memref<200x128xi32, #tpu.memory_space<vmem>> -> memref<1x128xi32, #tpu.memory_space<vmem>>
      %dma_wait3A_1421 = tpu.memref_squeeze %dma_wait3A_1420 : memref<1x128xi32, #tpu.memory_space<vmem>> -> memref<128xi32, #tpu.memory_space<vmem>>
      %dma_wait3A_1422 = arith.constant 0 : i32
      %dma_wait3A_1423 = arith.constant 0 : i32
      %dma_wait3A_1424 = tpu.memref_slice %arg7[%dma_wait3A_1422, %dma_wait3A_1423] : memref<256x128xf32, #tpu.memory_space<vmem_shared>> -> memref<256x128xf32, #tpu.memory_space<vmem_shared>>
      %dma_wait3A_1425 = tpu.memref_slice %arg8[%dma_wait3A_1414] : memref<4x!tpu.dma_semaphore, #tpu.memory_space<semaphore_mem>> -> memref<1x!tpu.dma_semaphore, #tpu.memory_space<semaphore_mem>>
      %dma_wait3A_1426 = tpu.memref_squeeze %dma_wait3A_1425 : memref<1x!tpu.dma_semaphore, #tpu.memory_space<semaphore_mem>> -> memref<!tpu.dma_semaphore, #tpu.memory_space<semaphore_mem>>
      tpu.wait_indirect_dma semaphore(%dma_wait3A_1426 : memref<!tpu.dma_semaphore, #tpu.memory_space<semaphore_mem>>) src(%dma_wait3A_1424 : memref<256x128xf32, #tpu.memory_space<vmem_shared>>) dst(%dma_wait3A_1418 : memref<128x128xf32, #tpu.memory_space<vmem>>)
      %mul3A_1427 = arith.constant 128 : i32
      %mul3A_1428 = arith.muli %add3A_1282, %mul3A_1427 : i32
      %add3A_1429 = arith.addi %mul3A_2, %mul3A_1428 : i32
      %dma_start3A_1430 = arith.constant 2 : i32
      %dma_start3A_1431 = arith.constant 2 : i32
      %dma_start3A_1432 = arith.constant 0 : i32
      %dma_start3A_1433 = arith.constant 0 : i32
      %dma_start3A_1434 = tpu.memref_slice %arg6[%dma_start3A_1430, %dma_start3A_1432, %dma_start3A_1433] : memref<4x128x128xf32, #tpu.memory_space<vmem>> -> memref<1x128x128xf32, #tpu.memory_space<vmem>>
      %dma_start3A_1435 = tpu.memref_squeeze %dma_start3A_1434 : memref<1x128x128xf32, #tpu.memory_space<vmem>> -> memref<128x128xf32, #tpu.memory_space<vmem>>
      %dma_start3A_1436 = arith.constant 0 : i32
      %dma_start3A_1437 = tpu.memref_slice %arg4[%add3A_1429, %dma_start3A_1436] : memref<819200x128xf32, #tpu.memory_space<hbm>> -> memref<128x128xf32, #tpu.memory_space<hbm>>
      %dma_start3A_1438 = tpu.memref_slice %arg9[%dma_start3A_1431] : memref<4x!tpu.dma_semaphore, #tpu.memory_space<semaphore_mem>> -> memref<1x!tpu.dma_semaphore, #tpu.memory_space<semaphore_mem>>
      %dma_start3A_1439 = tpu.memref_squeeze %dma_start3A_1438 : memref<1x!tpu.dma_semaphore, #tpu.memory_space<semaphore_mem>> -> memref<!tpu.dma_semaphore, #tpu.memory_space<semaphore_mem>>
      %dma_start3A_1440 = arith.constant 0 : i32
      %dma_start3A_1441 = tpu.memref_slice %arg4[%add3A_1429, %dma_start3A_1440] : memref<819200x128xf32, #tpu.memory_space<hbm>> -> memref<128x128xf32, #tpu.memory_space<hbm>>
      %dma_start3A_1442 = arith.constant 0 : i32
      %dma_start3A_1443 = arith.constant 0 : i32
      %dma_start3A_1444 = tpu.memref_slice %arg6[%dma_start3A_1430, %dma_start3A_1442, %dma_start3A_1443] : memref<4x128x128xf32, #tpu.memory_space<vmem>> -> memref<1x128x128xf32, #tpu.memory_space<vmem>>
      %dma_start3A_1445 = tpu.memref_squeeze %dma_start3A_1444 : memref<1x128x128xf32, #tpu.memory_space<vmem>> -> memref<128x128xf32, #tpu.memory_space<vmem>>
      tpu.enqueue_dma source(%dma_start3A_1445 : memref<128x128xf32, #tpu.memory_space<vmem>>) target(%dma_start3A_1441 : memref<128x128xf32, #tpu.memory_space<hbm>>) target_semaphore(%dma_start3A_1439 : memref<!tpu.dma_semaphore, #tpu.memory_space<semaphore_mem>>)
      %mul3A_1446 = arith.constant 128 : i32
      %mul3A_1447 = arith.muli %add3A_1282, %mul3A_1446 : i32
      %add3A_1448 = arith.addi %mul3A_2, %mul3A_1447 : i32
      %dma_wait3A_1449 = arith.constant 2 : i32
      %dma_wait3A_1450 = arith.constant 2 : i32
      %dma_wait3A_1451 = arith.constant 0 : i32
      %dma_wait3A_1452 = arith.constant 0 : i32
      %dma_wait3A_1453 = tpu.memref_slice %arg6[%dma_wait3A_1449, %dma_wait3A_1451, %dma_wait3A_1452] : memref<4x128x128xf32, #tpu.memory_space<vmem>> -> memref<1x128x128xf32, #tpu.memory_space<vmem>>
      %dma_wait3A_1454 = tpu.memref_squeeze %dma_wait3A_1453 : memref<1x128x128xf32, #tpu.memory_space<vmem>> -> memref<128x128xf32, #tpu.memory_space<vmem>>
      %dma_wait3A_1455 = arith.constant 0 : i32
      %dma_wait3A_1456 = tpu.memref_slice %arg4[%add3A_1448, %dma_wait3A_1455] : memref<819200x128xf32, #tpu.memory_space<hbm>> -> memref<128x128xf32, #tpu.memory_space<hbm>>
      %dma_wait3A_1457 = tpu.memref_slice %arg9[%dma_wait3A_1450] : memref<4x!tpu.dma_semaphore, #tpu.memory_space<semaphore_mem>> -> memref<1x!tpu.dma_semaphore, #tpu.memory_space<semaphore_mem>>
      %dma_wait3A_1458 = tpu.memref_squeeze %dma_wait3A_1457 : memref<1x!tpu.dma_semaphore, #tpu.memory_space<semaphore_mem>> -> memref<!tpu.dma_semaphore, #tpu.memory_space<semaphore_mem>>
      %dma_wait3A_1459 = arith.constant 0 : i32
      %dma_wait3A_1460 = tpu.memref_slice %arg4[%add3A_1448, %dma_wait3A_1459] : memref<819200x128xf32, #tpu.memory_space<hbm>> -> memref<128x128xf32, #tpu.memory_space<hbm>>
      %dma_wait3A_1461 = arith.constant 0 : i32
      %dma_wait3A_1462 = arith.constant 0 : i32
      %dma_wait3A_1463 = tpu.memref_slice %arg6[%dma_wait3A_1449, %dma_wait3A_1461, %dma_wait3A_1462] : memref<4x128x128xf32, #tpu.memory_space<vmem>> -> memref<1x128x128xf32, #tpu.memory_space<vmem>>
      %dma_wait3A_1464 = tpu.memref_squeeze %dma_wait3A_1463 : memref<1x128x128xf32, #tpu.memory_space<vmem>> -> memref<128x128xf32, #tpu.memory_space<vmem>>
      tpu.wait_dma2 semaphore(%dma_wait3A_1458 : memref<!tpu.dma_semaphore, #tpu.memory_space<semaphore_mem>>) src(%dma_wait3A_1464 : memref<128x128xf32, #tpu.memory_space<vmem>>) dst(%dma_wait3A_1460 : memref<128x128xf32, #tpu.memory_space<hbm>>)
      %add3A_1465 = arith.constant 4 : i32
      %add3A_1466 = arith.addi %add3A_1282, %add3A_1465 : i32
      %dma_start3A_1467 = arith.constant 2 : i32
      %dma_start3A_1468 = arith.constant 2 : i32
      %dma_start3A_1469 = arith.constant 0 : i32
      %dma_start3A_1470 = arith.constant 0 : i32
      %dma_start3A_1471 = tpu.memref_slice %arg6[%dma_start3A_1467, %dma_start3A_1469, %dma_start3A_1470] : memref<4x128x128xf32, #tpu.memory_space<vmem>> -> memref<1x128x128xf32, #tpu.memory_space<vmem>>
      %dma_start3A_1472 = tpu.memref_squeeze %dma_start3A_1471 : memref<1x128x128xf32, #tpu.memory_space<vmem>> -> memref<128x128xf32, #tpu.memory_space<vmem>>
      %dma_start3A_1473 = arith.constant 0 : i32
      %dma_start3A_1474 = tpu.memref_slice %arg5[%add3A_1466, %dma_start3A_1473] : memref<200x128xi32, #tpu.memory_space<vmem>> -> memref<1x128xi32, #tpu.memory_space<vmem>>
      %dma_start3A_1475 = tpu.memref_squeeze %dma_start3A_1474 : memref<1x128xi32, #tpu.memory_space<vmem>> -> memref<128xi32, #tpu.memory_space<vmem>>
      %dma_start3A_1476 = arith.constant 0 : i32
      %dma_start3A_1477 = arith.constant 0 : i32
      %dma_start3A_1478 = tpu.memref_slice %arg7[%dma_start3A_1476, %dma_start3A_1477] : memref<256x128xf32, #tpu.memory_space<vmem_shared>> -> memref<256x128xf32, #tpu.memory_space<vmem_shared>>
      %dma_start3A_1479 = tpu.memref_slice %arg8[%dma_start3A_1468] : memref<4x!tpu.dma_semaphore, #tpu.memory_space<semaphore_mem>> -> memref<1x!tpu.dma_semaphore, #tpu.memory_space<semaphore_mem>>
      %dma_start3A_1480 = tpu.memref_squeeze %dma_start3A_1479 : memref<1x!tpu.dma_semaphore, #tpu.memory_space<semaphore_mem>> -> memref<!tpu.dma_semaphore, #tpu.memory_space<semaphore_mem>>
      tpu.enqueue_indirect_dma source(%dma_start3A_1478 : memref<256x128xf32, #tpu.memory_space<vmem_shared>>) target(%dma_start3A_1472 : memref<128x128xf32, #tpu.memory_space<vmem>>) offsets(%dma_start3A_1475 : memref<128xi32, #tpu.memory_space<vmem>>) semaphore(%dma_start3A_1480 : memref<!tpu.dma_semaphore, #tpu.memory_space<semaphore_mem>>)
      %add3A_1481 = arith.constant 3 : i32
      %add3A_1482 = arith.addi %mul3A_880, %add3A_1481 : i32
      %add3A_1483 = arith.constant 4 : i32
      %add3A_1484 = arith.addi %add3A_1482, %add3A_1483 : i32
      %get3A_1485 = arith.index_cast %add3A_1484 : i32 to index
      %get3A_1486 = arith.constant 0 : index
      %get3A_1487 = tpu.vector_load %arg5[%get3A_1485, %get3A_1486] {strides = array<i32>} : memref<200x128xi32, #tpu.memory_space<vmem>>, vector<1x16xi32>,
      %get3A_1488 = vector.shape_cast %get3A_1487 : vector<1x16xi32> to vector<16xi32>
      %mul3A_1489 = arith.constant 4 : i32
      %mul3A_1490 = vector.broadcast %mul3A_1489 : i32 to vector<16xi32>
      %mul3A_1491 = arith.muli %iota3A, %mul3A_1490 : vector<16xi32>
      %add3A_1492 = arith.constant 0 : i32
      %add3A_1493 = vector.broadcast %add3A_1492 : i32 to vector<16xi32>
      %add3A_1494 = arith.addi %mul3A_1491, %add3A_1493 : vector<16xi32>
      %add3A_1495 = arith.addi %get3A_1488, %add3A_1494 : vector<16xi32>
      %swap3A_1496 = arith.index_cast %add3A_1484 : i32 to index
      %swap3A_1497 = arith.constant 0 : index
      %swap3A_1498 = tpu.vector_load %arg5[%swap3A_1496, %swap3A_1497] {strides = array<i32>} : memref<200x128xi32, #tpu.memory_space<vmem>>, vector<1x16xi32>,
      %swap3A_1499 = vector.shape_cast %swap3A_1498 : vector<1x16xi32> to vector<16xi32>
      %swap3A_1500 = vector.shape_cast %add3A_1495 : vector<16xi32> to vector<1x16xi32>
      tpu.vector_store %arg5[%swap3A_1496, %swap3A_1497], %swap3A_1500 {strides = array<i32>} : memref<200x128xi32, #tpu.memory_space<vmem>>, vector<1x16xi32>,
      %get3A_1501 = arith.index_cast %add3A_1484 : i32 to index
      %get3A_1502 = arith.constant 16 : index
      %get3A_1503 = tpu.vector_load %arg5[%get3A_1501, %get3A_1502] {strides = array<i32>} : memref<200x128xi32, #tpu.memory_space<vmem>>, vector<1x16xi32>,
      %get3A_1504 = vector.shape_cast %get3A_1503 : vector<1x16xi32> to vector<16xi32>
      %mul3A_1505 = arith.constant 4 : i32
      %mul3A_1506 = vector.broadcast %mul3A_1505 : i32 to vector<16xi32>
      %mul3A_1507 = arith.muli %iota3A, %mul3A_1506 : vector<16xi32>
      %add3A_1508 = arith.constant 64 : i32
      %add3A_1509 = vector.broadcast %add3A_1508 : i32 to vector<16xi32>
      %add3A_1510 = arith.addi %mul3A_1507, %add3A_1509 : vector<16xi32>
      %add3A_1511 = arith.addi %get3A_1504, %add3A_1510 : vector<16xi32>
      %swap3A_1512 = arith.index_cast %add3A_1484 : i32 to index
      %swap3A_1513 = arith.constant 16 : index
      %swap3A_1514 = tpu.vector_load %arg5[%swap3A_1512, %swap3A_1513] {strides = array<i32>} : memref<200x128xi32, #tpu.memory_space<vmem>>, vector<1x16xi32>,
      %swap3A_1515 = vector.shape_cast %swap3A_1514 : vector<1x16xi32> to vector<16xi32>
      %swap3A_1516 = vector.shape_cast %add3A_1511 : vector<16xi32> to vector<1x16xi32>
      tpu.vector_store %arg5[%swap3A_1512, %swap3A_1513], %swap3A_1516 {strides = array<i32>} : memref<200x128xi32, #tpu.memory_space<vmem>>, vector<1x16xi32>,
      %get3A_1517 = arith.index_cast %add3A_1484 : i32 to index
      %get3A_1518 = arith.constant 32 : index
      %get3A_1519 = tpu.vector_load %arg5[%get3A_1517, %get3A_1518] {strides = array<i32>} : memref<200x128xi32, #tpu.memory_space<vmem>>, vector<1x16xi32>,
      %get3A_1520 = vector.shape_cast %get3A_1519 : vector<1x16xi32> to vector<16xi32>
      %mul3A_1521 = arith.constant 4 : i32
      %mul3A_1522 = vector.broadcast %mul3A_1521 : i32 to vector<16xi32>
      %mul3A_1523 = arith.muli %iota3A, %mul3A_1522 : vector<16xi32>
      %add3A_1524 = arith.constant 128 : i32
      %add3A_1525 = vector.broadcast %add3A_1524 : i32 to vector<16xi32>
      %add3A_1526 = arith.addi %mul3A_1523, %add3A_1525 : vector<16xi32>
      %add3A_1527 = arith.addi %get3A_1520, %add3A_1526 : vector<16xi32>
      %swap3A_1528 = arith.index_cast %add3A_1484 : i32 to index
      %swap3A_1529 = arith.constant 32 : index
      %swap3A_1530 = tpu.vector_load %arg5[%swap3A_1528, %swap3A_1529] {strides = array<i32>} : memref<200x128xi32, #tpu.memory_space<vmem>>, vector<1x16xi32>,
      %swap3A_1531 = vector.shape_cast %swap3A_1530 : vector<1x16xi32> to vector<16xi32>
      %swap3A_1532 = vector.shape_cast %add3A_1527 : vector<16xi32> to vector<1x16xi32>
      tpu.vector_store %arg5[%swap3A_1528, %swap3A_1529], %swap3A_1532 {strides = array<i32>} : memref<200x128xi32, #tpu.memory_space<vmem>>, vector<1x16xi32>,
      %get3A_1533 = arith.index_cast %add3A_1484 : i32 to index
      %get3A_1534 = arith.constant 48 : index
      %get3A_1535 = tpu.vector_load %arg5[%get3A_1533, %get3A_1534] {strides = array<i32>} : memref<200x128xi32, #tpu.memory_space<vmem>>, vector<1x16xi32>,
      %get3A_1536 = vector.shape_cast %get3A_1535 : vector<1x16xi32> to vector<16xi32>
      %mul3A_1537 = arith.constant 4 : i32
      %mul3A_1538 = vector.broadcast %mul3A_1537 : i32 to vector<16xi32>
      %mul3A_1539 = arith.muli %iota3A, %mul3A_1538 : vector<16xi32>
      %add3A_1540 = arith.constant 192 : i32
      %add3A_1541 = vector.broadcast %add3A_1540 : i32 to vector<16xi32>
      %add3A_1542 = arith.addi %mul3A_1539, %add3A_1541 : vector<16xi32>
      %add3A_1543 = arith.addi %get3A_1536, %add3A_1542 : vector<16xi32>
      %swap3A_1544 = arith.index_cast %add3A_1484 : i32 to index
      %swap3A_1545 = arith.constant 48 : index
      %swap3A_1546 = tpu.vector_load %arg5[%swap3A_1544, %swap3A_1545] {strides = array<i32>} : memref<200x128xi32, #tpu.memory_space<vmem>>, vector<1x16xi32>,
      %swap3A_1547 = vector.shape_cast %swap3A_1546 : vector<1x16xi32> to vector<16xi32>
      %swap3A_1548 = vector.shape_cast %add3A_1543 : vector<16xi32> to vector<1x16xi32>
      tpu.vector_store %arg5[%swap3A_1544, %swap3A_1545], %swap3A_1548 {strides = array<i32>} : memref<200x128xi32, #tpu.memory_space<vmem>>, vector<1x16xi32>,
      %get3A_1549 = arith.index_cast %add3A_1484 : i32 to index
      %get3A_1550 = arith.constant 64 : index
      %get3A_1551 = tpu.vector_load %arg5[%get3A_1549, %get3A_1550] {strides = array<i32>} : memref<200x128xi32, #tpu.memory_space<vmem>>, vector<1x16xi32>,
      %get3A_1552 = vector.shape_cast %get3A_1551 : vector<1x16xi32> to vector<16xi32>
      %mul3A_1553 = arith.constant 4 : i32
      %mul3A_1554 = vector.broadcast %mul3A_1553 : i32 to vector<16xi32>
      %mul3A_1555 = arith.muli %iota3A, %mul3A_1554 : vector<16xi32>
      %add3A_1556 = arith.constant 0 : i32
      %add3A_1557 = vector.broadcast %add3A_1556 : i32 to vector<16xi32>
      %add3A_1558 = arith.addi %mul3A_1555, %add3A_1557 : vector<16xi32>
      %add3A_1559 = arith.addi %get3A_1552, %add3A_1558 : vector<16xi32>
      %swap3A_1560 = arith.index_cast %add3A_1484 : i32 to index
      %swap3A_1561 = arith.constant 64 : index
      %swap3A_1562 = tpu.vector_load %arg5[%swap3A_1560, %swap3A_1561] {strides = array<i32>} : memref<200x128xi32, #tpu.memory_space<vmem>>, vector<1x16xi32>,
      %swap3A_1563 = vector.shape_cast %swap3A_1562 : vector<1x16xi32> to vector<16xi32>
      %swap3A_1564 = vector.shape_cast %add3A_1559 : vector<16xi32> to vector<1x16xi32>
      tpu.vector_store %arg5[%swap3A_1560, %swap3A_1561], %swap3A_1564 {strides = array<i32>} : memref<200x128xi32, #tpu.memory_space<vmem>>, vector<1x16xi32>,
      %get3A_1565 = arith.index_cast %add3A_1484 : i32 to index
      %get3A_1566 = arith.constant 80 : index
      %get3A_1567 = tpu.vector_load %arg5[%get3A_1565, %get3A_1566] {strides = array<i32>} : memref<200x128xi32, #tpu.memory_space<vmem>>, vector<1x16xi32>,
      %get3A_1568 = vector.shape_cast %get3A_1567 : vector<1x16xi32> to vector<16xi32>
      %mul3A_1569 = arith.constant 4 : i32
      %mul3A_1570 = vector.broadcast %mul3A_1569 : i32 to vector<16xi32>
      %mul3A_1571 = arith.muli %iota3A, %mul3A_1570 : vector<16xi32>
      %add3A_1572 = arith.constant 64 : i32
      %add3A_1573 = vector.broadcast %add3A_1572 : i32 to vector<16xi32>
      %add3A_1574 = arith.addi %mul3A_1571, %add3A_1573 : vector<16xi32>
      %add3A_1575 = arith.addi %get3A_1568, %add3A_1574 : vector<16xi32>
      %swap3A_1576 = arith.index_cast %add3A_1484 : i32 to index
      %swap3A_1577 = arith.constant 80 : index
      %swap3A_1578 = tpu.vector_load %arg5[%swap3A_1576, %swap3A_1577] {strides = array<i32>} : memref<200x128xi32, #tpu.memory_space<vmem>>, vector<1x16xi32>,
      %swap3A_1579 = vector.shape_cast %swap3A_1578 : vector<1x16xi32> to vector<16xi32>
      %swap3A_1580 = vector.shape_cast %add3A_1575 : vector<16xi32> to vector<1x16xi32>
      tpu.vector_store %arg5[%swap3A_1576, %swap3A_1577], %swap3A_1580 {strides = array<i32>} : memref<200x128xi32, #tpu.memory_space<vmem>>, vector<1x16xi32>,
      %get3A_1581 = arith.index_cast %add3A_1484 : i32 to index
      %get3A_1582 = arith.constant 96 : index
      %get3A_1583 = tpu.vector_load %arg5[%get3A_1581, %get3A_1582] {strides = array<i32>} : memref<200x128xi32, #tpu.memory_space<vmem>>, vector<1x16xi32>,
      %get3A_1584 = vector.shape_cast %get3A_1583 : vector<1x16xi32> to vector<16xi32>
      %mul3A_1585 = arith.constant 4 : i32
      %mul3A_1586 = vector.broadcast %mul3A_1585 : i32 to vector<16xi32>
      %mul3A_1587 = arith.muli %iota3A, %mul3A_1586 : vector<16xi32>
      %add3A_1588 = arith.constant 128 : i32
      %add3A_1589 = vector.broadcast %add3A_1588 : i32 to vector<16xi32>
      %add3A_1590 = arith.addi %mul3A_1587, %add3A_1589 : vector<16xi32>
      %add3A_1591 = arith.addi %get3A_1584, %add3A_1590 : vector<16xi32>
      %swap3A_1592 = arith.index_cast %add3A_1484 : i32 to index
      %swap3A_1593 = arith.constant 96 : index
      %swap3A_1594 = tpu.vector_load %arg5[%swap3A_1592, %swap3A_1593] {strides = array<i32>} : memref<200x128xi32, #tpu.memory_space<vmem>>, vector<1x16xi32>,
      %swap3A_1595 = vector.shape_cast %swap3A_1594 : vector<1x16xi32> to vector<16xi32>
      %swap3A_1596 = vector.shape_cast %add3A_1591 : vector<16xi32> to vector<1x16xi32>
      tpu.vector_store %arg5[%swap3A_1592, %swap3A_1593], %swap3A_1596 {strides = array<i32>} : memref<200x128xi32, #tpu.memory_space<vmem>>, vector<1x16xi32>,
      %get3A_1597 = arith.index_cast %add3A_1484 : i32 to index
      %get3A_1598 = arith.constant 112 : index
      %get3A_1599 = tpu.vector_load %arg5[%get3A_1597, %get3A_1598] {strides = array<i32>} : memref<200x128xi32, #tpu.memory_space<vmem>>, vector<1x16xi32>,
      %get3A_1600 = vector.shape_cast %get3A_1599 : vector<1x16xi32> to vector<16xi32>
      %mul3A_1601 = arith.constant 4 : i32
      %mul3A_1602 = vector.broadcast %mul3A_1601 : i32 to vector<16xi32>
      %mul3A_1603 = arith.muli %iota3A, %mul3A_1602 : vector<16xi32>
      %add3A_1604 = arith.constant 192 : i32
      %add3A_1605 = vector.broadcast %add3A_1604 : i32 to vector<16xi32>
      %add3A_1606 = arith.addi %mul3A_1603, %add3A_1605 : vector<16xi32>
      %add3A_1607 = arith.addi %get3A_1600, %add3A_1606 : vector<16xi32>
      %swap3A_1608 = arith.index_cast %add3A_1484 : i32 to index
      %swap3A_1609 = arith.constant 112 : index
      %swap3A_1610 = tpu.vector_load %arg5[%swap3A_1608, %swap3A_1609] {strides = array<i32>} : memref<200x128xi32, #tpu.memory_space<vmem>>, vector<1x16xi32>,
      %swap3A_1611 = vector.shape_cast %swap3A_1610 : vector<1x16xi32> to vector<16xi32>
      %swap3A_1612 = vector.shape_cast %add3A_1607 : vector<16xi32> to vector<1x16xi32>
      tpu.vector_store %arg5[%swap3A_1608, %swap3A_1609], %swap3A_1612 {strides = array<i32>} : memref<200x128xi32, #tpu.memory_space<vmem>>, vector<1x16xi32>,
      %dma_wait3A_1613 = arith.constant 3 : i32
      %dma_wait3A_1614 = arith.constant 3 : i32
      %dma_wait3A_1615 = arith.constant 0 : i32
      %dma_wait3A_1616 = arith.constant 0 : i32
      %dma_wait3A_1617 = tpu.memref_slice %arg6[%dma_wait3A_1613, %dma_wait3A_1615, %dma_wait3A_1616] : memref<4x128x128xf32, #tpu.memory_space<vmem>> -> memref<1x128x128xf32, #tpu.memory_space<vmem>>
      %dma_wait3A_1618 = tpu.memref_squeeze %dma_wait3A_1617 : memref<1x128x128xf32, #tpu.memory_space<vmem>> -> memref<128x128xf32, #tpu.memory_space<vmem>>
      %dma_wait3A_1619 = arith.constant 0 : i32
      %dma_wait3A_1620 = tpu.memref_slice %arg5[%add3A_1482, %dma_wait3A_1619] : memref<200x128xi32, #tpu.memory_space<vmem>> -> memref<1x128xi32, #tpu.memory_space<vmem>>
      %dma_wait3A_1621 = tpu.memref_squeeze %dma_wait3A_1620 : memref<1x128xi32, #tpu.memory_space<vmem>> -> memref<128xi32, #tpu.memory_space<vmem>>
      %dma_wait3A_1622 = arith.constant 0 : i32
      %dma_wait3A_1623 = arith.constant 0 : i32
      %dma_wait3A_1624 = tpu.memref_slice %arg7[%dma_wait3A_1622, %dma_wait3A_1623] : memref<256x128xf32, #tpu.memory_space<vmem_shared>> -> memref<256x128xf32, #tpu.memory_space<vmem_shared>>
      %dma_wait3A_1625 = tpu.memref_slice %arg8[%dma_wait3A_1614] : memref<4x!tpu.dma_semaphore, #tpu.memory_space<semaphore_mem>> -> memref<1x!tpu.dma_semaphore, #tpu.memory_space<semaphore_mem>>
      %dma_wait3A_1626 = tpu.memref_squeeze %dma_wait3A_1625 : memref<1x!tpu.dma_semaphore, #tpu.memory_space<semaphore_mem>> -> memref<!tpu.dma_semaphore, #tpu.memory_space<semaphore_mem>>
      tpu.wait_indirect_dma semaphore(%dma_wait3A_1626 : memref<!tpu.dma_semaphore, #tpu.memory_space<semaphore_mem>>) src(%dma_wait3A_1624 : memref<256x128xf32, #tpu.memory_space<vmem_shared>>) dst(%dma_wait3A_1618 : memref<128x128xf32, #tpu.memory_space<vmem>>)
      %mul3A_1627 = arith.constant 128 : i32
      %mul3A_1628 = arith.muli %add3A_1482, %mul3A_1627 : i32
      %add3A_1629 = arith.addi %mul3A_2, %mul3A_1628 : i32
      %dma_start3A_1630 = arith.constant 3 : i32
      %dma_start3A_1631 = arith.constant 3 : i32
      %dma_start3A_1632 = arith.constant 0 : i32
      %dma_start3A_1633 = arith.constant 0 : i32
      %dma_start3A_1634 = tpu.memref_slice %arg6[%dma_start3A_1630, %dma_start3A_1632, %dma_start3A_1633] : memref<4x128x128xf32, #tpu.memory_space<vmem>> -> memref<1x128x128xf32, #tpu.memory_space<vmem>>
      %dma_start3A_1635 = tpu.memref_squeeze %dma_start3A_1634 : memref<1x128x128xf32, #tpu.memory_space<vmem>> -> memref<128x128xf32, #tpu.memory_space<vmem>>
      %dma_start3A_1636 = arith.constant 0 : i32
      %dma_start3A_1637 = tpu.memref_slice %arg4[%add3A_1629, %dma_start3A_1636] : memref<819200x128xf32, #tpu.memory_space<hbm>> -> memref<128x128xf32, #tpu.memory_space<hbm>>
      %dma_start3A_1638 = tpu.memref_slice %arg9[%dma_start3A_1631] : memref<4x!tpu.dma_semaphore, #tpu.memory_space<semaphore_mem>> -> memref<1x!tpu.dma_semaphore, #tpu.memory_space<semaphore_mem>>
      %dma_start3A_1639 = tpu.memref_squeeze %dma_start3A_1638 : memref<1x!tpu.dma_semaphore, #tpu.memory_space<semaphore_mem>> -> memref<!tpu.dma_semaphore, #tpu.memory_space<semaphore_mem>>
      %dma_start3A_1640 = arith.constant 0 : i32
      %dma_start3A_1641 = tpu.memref_slice %arg4[%add3A_1629, %dma_start3A_1640] : memref<819200x128xf32, #tpu.memory_space<hbm>> -> memref<128x128xf32, #tpu.memory_space<hbm>>
      %dma_start3A_1642 = arith.constant 0 : i32
      %dma_start3A_1643 = arith.constant 0 : i32
      %dma_start3A_1644 = tpu.memref_slice %arg6[%dma_start3A_1630, %dma_start3A_1642, %dma_start3A_1643] : memref<4x128x128xf32, #tpu.memory_space<vmem>> -> memref<1x128x128xf32, #tpu.memory_space<vmem>>
      %dma_start3A_1645 = tpu.memref_squeeze %dma_start3A_1644 : memref<1x128x128xf32, #tpu.memory_space<vmem>> -> memref<128x128xf32, #tpu.memory_space<vmem>>
      tpu.enqueue_dma source(%dma_start3A_1645 : memref<128x128xf32, #tpu.memory_space<vmem>>) target(%dma_start3A_1641 : memref<128x128xf32, #tpu.memory_space<hbm>>) target_semaphore(%dma_start3A_1639 : memref<!tpu.dma_semaphore, #tpu.memory_space<semaphore_mem>>)
      %mul3A_1646 = arith.constant 128 : i32
      %mul3A_1647 = arith.muli %add3A_1482, %mul3A_1646 : i32
      %add3A_1648 = arith.addi %mul3A_2, %mul3A_1647 : i32
      %dma_wait3A_1649 = arith.constant 3 : i32
      %dma_wait3A_1650 = arith.constant 3 : i32
      %dma_wait3A_1651 = arith.constant 0 : i32
      %dma_wait3A_1652 = arith.constant 0 : i32
      %dma_wait3A_1653 = tpu.memref_slice %arg6[%dma_wait3A_1649, %dma_wait3A_1651, %dma_wait3A_1652] : memref<4x128x128xf32, #tpu.memory_space<vmem>> -> memref<1x128x128xf32, #tpu.memory_space<vmem>>
      %dma_wait3A_1654 = tpu.memref_squeeze %dma_wait3A_1653 : memref<1x128x128xf32, #tpu.memory_space<vmem>> -> memref<128x128xf32, #tpu.memory_space<vmem>>
      %dma_wait3A_1655 = arith.constant 0 : i32
      %dma_wait3A_1656 = tpu.memref_slice %arg4[%add3A_1648, %dma_wait3A_1655] : memref<819200x128xf32, #tpu.memory_space<hbm>> -> memref<128x128xf32, #tpu.memory_space<hbm>>
      %dma_wait3A_1657 = tpu.memref_slice %arg9[%dma_wait3A_1650] : memref<4x!tpu.dma_semaphore, #tpu.memory_space<semaphore_mem>> -> memref<1x!tpu.dma_semaphore, #tpu.memory_space<semaphore_mem>>
      %dma_wait3A_1658 = tpu.memref_squeeze %dma_wait3A_1657 : memref<1x!tpu.dma_semaphore, #tpu.memory_space<semaphore_mem>> -> memref<!tpu.dma_semaphore, #tpu.memory_space<semaphore_mem>>
      %dma_wait3A_1659 = arith.constant 0 : i32
      %dma_wait3A_1660 = tpu.memref_slice %arg4[%add3A_1648, %dma_wait3A_1659] : memref<819200x128xf32, #tpu.memory_space<hbm>> -> memref<128x128xf32, #tpu.memory_space<hbm>>
      %dma_wait3A_1661 = arith.constant 0 : i32
      %dma_wait3A_1662 = arith.constant 0 : i32
      %dma_wait3A_1663 = tpu.memref_slice %arg6[%dma_wait3A_1649, %dma_wait3A_1661, %dma_wait3A_1662] : memref<4x128x128xf32, #tpu.memory_space<vmem>> -> memref<1x128x128xf32, #tpu.memory_space<vmem>>
      %dma_wait3A_1664 = tpu.memref_squeeze %dma_wait3A_1663 : memref<1x128x128xf32, #tpu.memory_space<vmem>> -> memref<128x128xf32, #tpu.memory_space<vmem>>
      tpu.wait_dma2 semaphore(%dma_wait3A_1658 : memref<!tpu.dma_semaphore, #tpu.memory_space<semaphore_mem>>) src(%dma_wait3A_1664 : memref<128x128xf32, #tpu.memory_space<vmem>>) dst(%dma_wait3A_1660 : memref<128x128xf32, #tpu.memory_space<hbm>>)
      %add3A_1665 = arith.constant 4 : i32
      %add3A_1666 = arith.addi %add3A_1482, %add3A_1665 : i32
      %dma_start3A_1667 = arith.constant 3 : i32
      %dma_start3A_1668 = arith.constant 3 : i32
      %dma_start3A_1669 = arith.constant 0 : i32
      %dma_start3A_1670 = arith.constant 0 : i32
      %dma_start3A_1671 = tpu.memref_slice %arg6[%dma_start3A_1667, %dma_start3A_1669, %dma_start3A_1670] : memref<4x128x128xf32, #tpu.memory_space<vmem>> -> memref<1x128x128xf32, #tpu.memory_space<vmem>>
      %dma_start3A_1672 = tpu.memref_squeeze %dma_start3A_1671 : memref<1x128x128xf32, #tpu.memory_space<vmem>> -> memref<128x128xf32, #tpu.memory_space<vmem>>
      %dma_start3A_1673 = arith.constant 0 : i32
      %dma_start3A_1674 = tpu.memref_slice %arg5[%add3A_1666, %dma_start3A_1673] : memref<200x128xi32, #tpu.memory_space<vmem>> -> memref<1x128xi32, #tpu.memory_space<vmem>>
      %dma_start3A_1675 = tpu.memref_squeeze %dma_start3A_1674 : memref<1x128xi32, #tpu.memory_space<vmem>> -> memref<128xi32, #tpu.memory_space<vmem>>
      %dma_start3A_1676 = arith.constant 0 : i32
      %dma_start3A_1677 = arith.constant 0 : i32
      %dma_start3A_1678 = tpu.memref_slice %arg7[%dma_start3A_1676, %dma_start3A_1677] : memref<256x128xf32, #tpu.memory_space<vmem_shared>> -> memref<256x128xf32, #tpu.memory_space<vmem_shared>>
      %dma_start3A_1679 = tpu.memref_slice %arg8[%dma_start3A_1668] : memref<4x!tpu.dma_semaphore, #tpu.memory_space<semaphore_mem>> -> memref<1x!tpu.dma_semaphore, #tpu.memory_space<semaphore_mem>>
      %dma_start3A_1680 = tpu.memref_squeeze %dma_start3A_1679 : memref<1x!tpu.dma_semaphore, #tpu.memory_space<semaphore_mem>> -> memref<!tpu.dma_semaphore, #tpu.memory_space<semaphore_mem>>
      tpu.enqueue_indirect_dma source(%dma_start3A_1678 : memref<256x128xf32, #tpu.memory_space<vmem_shared>>) target(%dma_start3A_1672 : memref<128x128xf32, #tpu.memory_space<vmem>>) offsets(%dma_start3A_1675 : memref<128xi32, #tpu.memory_space<vmem>>) semaphore(%dma_start3A_1680 : memref<!tpu.dma_semaphore, #tpu.memory_space<semaphore_mem>>)
      %scan3A_1681 = arith.constant 0 : i32
      scf.yield %scan3A_1681 : i32
    }
    %scan3A_672 = arith.constant 49 : i32
    %dma_wait3A_673 = arith.constant 196 : i32
    %dma_wait3A_674 = arith.constant 0 : i32
    %dma_wait3A_675 = arith.constant 0 : i32
    %dma_wait3A_676 = arith.constant 0 : i32
    %dma_wait3A_677 = arith.constant 0 : i32
    %dma_wait3A_678 = tpu.memref_slice %arg6[%dma_wait3A_674, %dma_wait3A_676, %dma_wait3A_677] : memref<4x128x128xf32, #tpu.memory_space<vmem>> -> memref<1x128x128xf32, #tpu.memory_space<vmem>>
    %dma_wait3A_679 = tpu.memref_squeeze %dma_wait3A_678 : memref<1x128x128xf32, #tpu.memory_space<vmem>> -> memref<128x128xf32, #tpu.memory_space<vmem>>
    %dma_wait3A_680 = arith.constant 0 : i32
    %dma_wait3A_681 = tpu.memref_slice %arg5[%dma_wait3A_673, %dma_wait3A_680] : memref<200x128xi32, #tpu.memory_space<vmem>> -> memref<1x128xi32, #tpu.memory_space<vmem>>
    %dma_wait3A_682 = tpu.memref_squeeze %dma_wait3A_681 : memref<1x128xi32, #tpu.memory_space<vmem>> -> memref<128xi32, #tpu.memory_space<vmem>>
    %dma_wait3A_683 = arith.constant 0 : i32
    %dma_wait3A_684 = arith.constant 0 : i32
    %dma_wait3A_685 = tpu.memref_slice %arg7[%dma_wait3A_683, %dma_wait3A_684] : memref<256x128xf32, #tpu.memory_space<vmem_shared>> -> memref<256x128xf32, #tpu.memory_space<vmem_shared>>
    %dma_wait3A_686 = tpu.memref_slice %arg8[%dma_wait3A_675] : memref<4x!tpu.dma_semaphore, #tpu.memory_space<semaphore_mem>> -> memref<1x!tpu.dma_semaphore, #tpu.memory_space<semaphore_mem>>
    %dma_wait3A_687 = tpu.memref_squeeze %dma_wait3A_686 : memref<1x!tpu.dma_semaphore, #tpu.memory_space<semaphore_mem>> -> memref<!tpu.dma_semaphore, #tpu.memory_space<semaphore_mem>>
    tpu.wait_indirect_dma semaphore(%dma_wait3A_687 : memref<!tpu.dma_semaphore, #tpu.memory_space<semaphore_mem>>) src(%dma_wait3A_685 : memref<256x128xf32, #tpu.memory_space<vmem_shared>>) dst(%dma_wait3A_679 : memref<128x128xf32, #tpu.memory_space<vmem>>)
    %add3A_688 = arith.constant 25088 : i32
    %add3A_689 = arith.addi %mul3A_2, %add3A_688 : i32
    %dma_start3A_690 = arith.constant 0 : i32
    %dma_start3A_691 = arith.constant 0 : i32
    %dma_start3A_692 = arith.constant 0 : i32
    %dma_start3A_693 = arith.constant 0 : i32
    %dma_start3A_694 = tpu.memref_slice %arg6[%dma_start3A_690, %dma_start3A_692, %dma_start3A_693] : memref<4x128x128xf32, #tpu.memory_space<vmem>> -> memref<1x128x128xf32, #tpu.memory_space<vmem>>
    %dma_start3A_695 = tpu.memref_squeeze %dma_start3A_694 : memref<1x128x128xf32, #tpu.memory_space<vmem>> -> memref<128x128xf32, #tpu.memory_space<vmem>>
    %dma_start3A_696 = arith.constant 0 : i32
    %dma_start3A_697 = tpu.memref_slice %arg4[%add3A_689, %dma_start3A_696] : memref<819200x128xf32, #tpu.memory_space<hbm>> -> memref<128x128xf32, #tpu.memory_space<hbm>>
    %dma_start3A_698 = tpu.memref_slice %arg9[%dma_start3A_691] : memref<4x!tpu.dma_semaphore, #tpu.memory_space<semaphore_mem>> -> memref<1x!tpu.dma_semaphore, #tpu.memory_space<semaphore_mem>>
    %dma_start3A_699 = tpu.memref_squeeze %dma_start3A_698 : memref<1x!tpu.dma_semaphore, #tpu.memory_space<semaphore_mem>> -> memref<!tpu.dma_semaphore, #tpu.memory_space<semaphore_mem>>
    %dma_start3A_700 = arith.constant 0 : i32
    %dma_start3A_701 = tpu.memref_slice %arg4[%add3A_689, %dma_start3A_700] : memref<819200x128xf32, #tpu.memory_space<hbm>> -> memref<128x128xf32, #tpu.memory_space<hbm>>
    %dma_start3A_702 = arith.constant 0 : i32
    %dma_start3A_703 = arith.constant 0 : i32
    %dma_start3A_704 = tpu.memref_slice %arg6[%dma_start3A_690, %dma_start3A_702, %dma_start3A_703] : memref<4x128x128xf32, #tpu.memory_space<vmem>> -> memref<1x128x128xf32, #tpu.memory_space<vmem>>
    %dma_start3A_705 = tpu.memref_squeeze %dma_start3A_704 : memref<1x128x128xf32, #tpu.memory_space<vmem>> -> memref<128x128xf32, #tpu.memory_space<vmem>>
    tpu.enqueue_dma source(%dma_start3A_705 : memref<128x128xf32, #tpu.memory_space<vmem>>) target(%dma_start3A_701 : memref<128x128xf32, #tpu.memory_space<hbm>>) target_semaphore(%dma_start3A_699 : memref<!tpu.dma_semaphore, #tpu.memory_space<semaphore_mem>>)
    %add3A_706 = arith.constant 25088 : i32
    %add3A_707 = arith.addi %mul3A_2, %add3A_706 : i32
    %dma_wait3A_708 = arith.constant 0 : i32
    %dma_wait3A_709 = arith.constant 0 : i32
    %dma_wait3A_710 = arith.constant 0 : i32
    %dma_wait3A_711 = arith.constant 0 : i32
    %dma_wait3A_712 = tpu.memref_slice %arg6[%dma_wait3A_708, %dma_wait3A_710, %dma_wait3A_711] : memref<4x128x128xf32, #tpu.memory_space<vmem>> -> memref<1x128x128xf32, #tpu.memory_space<vmem>>
    %dma_wait3A_713 = tpu.memref_squeeze %dma_wait3A_712 : memref<1x128x128xf32, #tpu.memory_space<vmem>> -> memref<128x128xf32, #tpu.memory_space<vmem>>
    %dma_wait3A_714 = arith.constant 0 : i32
    %dma_wait3A_715 = tpu.memref_slice %arg4[%add3A_707, %dma_wait3A_714] : memref<819200x128xf32, #tpu.memory_space<hbm>> -> memref<128x128xf32, #tpu.memory_space<hbm>>
    %dma_wait3A_716 = tpu.memref_slice %arg9[%dma_wait3A_709] : memref<4x!tpu.dma_semaphore, #tpu.memory_space<semaphore_mem>> -> memref<1x!tpu.dma_semaphore, #tpu.memory_space<semaphore_mem>>
    %dma_wait3A_717 = tpu.memref_squeeze %dma_wait3A_716 : memref<1x!tpu.dma_semaphore, #tpu.memory_space<semaphore_mem>> -> memref<!tpu.dma_semaphore, #tpu.memory_space<semaphore_mem>>
    %dma_wait3A_718 = arith.constant 0 : i32
    %dma_wait3A_719 = tpu.memref_slice %arg4[%add3A_707, %dma_wait3A_718] : memref<819200x128xf32, #tpu.memory_space<hbm>> -> memref<128x128xf32, #tpu.memory_space<hbm>>
    %dma_wait3A_720 = arith.constant 0 : i32
    %dma_wait3A_721 = arith.constant 0 : i32
    %dma_wait3A_722 = tpu.memref_slice %arg6[%dma_wait3A_708, %dma_wait3A_720, %dma_wait3A_721] : memref<4x128x128xf32, #tpu.memory_space<vmem>> -> memref<1x128x128xf32, #tpu.memory_space<vmem>>
    %dma_wait3A_723 = tpu.memref_squeeze %dma_wait3A_722 : memref<1x128x128xf32, #tpu.memory_space<vmem>> -> memref<128x128xf32, #tpu.memory_space<vmem>>
    tpu.wait_dma2 semaphore(%dma_wait3A_717 : memref<!tpu.dma_semaphore, #tpu.memory_space<semaphore_mem>>) src(%dma_wait3A_723 : memref<128x128xf32, #tpu.memory_space<vmem>>) dst(%dma_wait3A_719 : memref<128x128xf32, #tpu.memory_space<hbm>>)
    %dma_wait3A_724 = arith.constant 197 : i32
    %dma_wait3A_725 = arith.constant 1 : i32
    %dma_wait3A_726 = arith.constant 1 : i32
    %dma_wait3A_727 = arith.constant 0 : i32
    %dma_wait3A_728 = arith.constant 0 : i32
    %dma_wait3A_729 = tpu.memref_slice %arg6[%dma_wait3A_725, %dma_wait3A_727, %dma_wait3A_728] : memref<4x128x128xf32, #tpu.memory_space<vmem>> -> memref<1x128x128xf32, #tpu.memory_space<vmem>>
    %dma_wait3A_730 = tpu.memref_squeeze %dma_wait3A_729 : memref<1x128x128xf32, #tpu.memory_space<vmem>> -> memref<128x128xf32, #tpu.memory_space<vmem>>
    %dma_wait3A_731 = arith.constant 0 : i32
    %dma_wait3A_732 = tpu.memref_slice %arg5[%dma_wait3A_724, %dma_wait3A_731] : memref<200x128xi32, #tpu.memory_space<vmem>> -> memref<1x128xi32, #tpu.memory_space<vmem>>
    %dma_wait3A_733 = tpu.memref_squeeze %dma_wait3A_732 : memref<1x128xi32, #tpu.memory_space<vmem>> -> memref<128xi32, #tpu.memory_space<vmem>>
    %dma_wait3A_734 = arith.constant 0 : i32
    %dma_wait3A_735 = arith.constant 0 : i32
    %dma_wait3A_736 = tpu.memref_slice %arg7[%dma_wait3A_734, %dma_wait3A_735] : memref<256x128xf32, #tpu.memory_space<vmem_shared>> -> memref<256x128xf32, #tpu.memory_space<vmem_shared>>
    %dma_wait3A_737 = tpu.memref_slice %arg8[%dma_wait3A_726] : memref<4x!tpu.dma_semaphore, #tpu.memory_space<semaphore_mem>> -> memref<1x!tpu.dma_semaphore, #tpu.memory_space<semaphore_mem>>
    %dma_wait3A_738 = tpu.memref_squeeze %dma_wait3A_737 : memref<1x!tpu.dma_semaphore, #tpu.memory_space<semaphore_mem>> -> memref<!tpu.dma_semaphore, #tpu.memory_space<semaphore_mem>>
    tpu.wait_indirect_dma semaphore(%dma_wait3A_738 : memref<!tpu.dma_semaphore, #tpu.memory_space<semaphore_mem>>) src(%dma_wait3A_736 : memref<256x128xf32, #tpu.memory_space<vmem_shared>>) dst(%dma_wait3A_730 : memref<128x128xf32, #tpu.memory_space<vmem>>)
    %add3A_739 = arith.constant 25216 : i32
    %add3A_740 = arith.addi %mul3A_2, %add3A_739 : i32
    %dma_start3A_741 = arith.constant 1 : i32
    %dma_start3A_742 = arith.constant 1 : i32
    %dma_start3A_743 = arith.constant 0 : i32
    %dma_start3A_744 = arith.constant 0 : i32
    %dma_start3A_745 = tpu.memref_slice %arg6[%dma_start3A_741, %dma_start3A_743, %dma_start3A_744] : memref<4x128x128xf32, #tpu.memory_space<vmem>> -> memref<1x128x128xf32, #tpu.memory_space<vmem>>
    %dma_start3A_746 = tpu.memref_squeeze %dma_start3A_745 : memref<1x128x128xf32, #tpu.memory_space<vmem>> -> memref<128x128xf32, #tpu.memory_space<vmem>>
    %dma_start3A_747 = arith.constant 0 : i32
    %dma_start3A_748 = tpu.memref_slice %arg4[%add3A_740, %dma_start3A_747] : memref<819200x128xf32, #tpu.memory_space<hbm>> -> memref<128x128xf32, #tpu.memory_space<hbm>>
    %dma_start3A_749 = tpu.memref_slice %arg9[%dma_start3A_742] : memref<4x!tpu.dma_semaphore, #tpu.memory_space<semaphore_mem>> -> memref<1x!tpu.dma_semaphore, #tpu.memory_space<semaphore_mem>>
    %dma_start3A_750 = tpu.memref_squeeze %dma_start3A_749 : memref<1x!tpu.dma_semaphore, #tpu.memory_space<semaphore_mem>> -> memref<!tpu.dma_semaphore, #tpu.memory_space<semaphore_mem>>
    %dma_start3A_751 = arith.constant 0 : i32
    %dma_start3A_752 = tpu.memref_slice %arg4[%add3A_740, %dma_start3A_751] : memref<819200x128xf32, #tpu.memory_space<hbm>> -> memref<128x128xf32, #tpu.memory_space<hbm>>
    %dma_start3A_753 = arith.constant 0 : i32
    %dma_start3A_754 = arith.constant 0 : i32
    %dma_start3A_755 = tpu.memref_slice %arg6[%dma_start3A_741, %dma_start3A_753, %dma_start3A_754] : memref<4x128x128xf32, #tpu.memory_space<vmem>> -> memref<1x128x128xf32, #tpu.memory_space<vmem>>
    %dma_start3A_756 = tpu.memref_squeeze %dma_start3A_755 : memref<1x128x128xf32, #tpu.memory_space<vmem>> -> memref<128x128xf32, #tpu.memory_space<vmem>>
    tpu.enqueue_dma source(%dma_start3A_756 : memref<128x128xf32, #tpu.memory_space<vmem>>) target(%dma_start3A_752 : memref<128x128xf32, #tpu.memory_space<hbm>>) target_semaphore(%dma_start3A_750 : memref<!tpu.dma_semaphore, #tpu.memory_space<semaphore_mem>>)
    %add3A_757 = arith.constant 25216 : i32
    %add3A_758 = arith.addi %mul3A_2, %add3A_757 : i32
    %dma_wait3A_759 = arith.constant 1 : i32
    %dma_wait3A_760 = arith.constant 1 : i32
    %dma_wait3A_761 = arith.constant 0 : i32
    %dma_wait3A_762 = arith.constant 0 : i32
    %dma_wait3A_763 = tpu.memref_slice %arg6[%dma_wait3A_759, %dma_wait3A_761, %dma_wait3A_762] : memref<4x128x128xf32, #tpu.memory_space<vmem>> -> memref<1x128x128xf32, #tpu.memory_space<vmem>>
    %dma_wait3A_764 = tpu.memref_squeeze %dma_wait3A_763 : memref<1x128x128xf32, #tpu.memory_space<vmem>> -> memref<128x128xf32, #tpu.memory_space<vmem>>
    %dma_wait3A_765 = arith.constant 0 : i32
    %dma_wait3A_766 = tpu.memref_slice %arg4[%add3A_758, %dma_wait3A_765] : memref<819200x128xf32, #tpu.memory_space<hbm>> -> memref<128x128xf32, #tpu.memory_space<hbm>>
    %dma_wait3A_767 = tpu.memref_slice %arg9[%dma_wait3A_760] : memref<4x!tpu.dma_semaphore, #tpu.memory_space<semaphore_mem>> -> memref<1x!tpu.dma_semaphore, #tpu.memory_space<semaphore_mem>>
    %dma_wait3A_768 = tpu.memref_squeeze %dma_wait3A_767 : memref<1x!tpu.dma_semaphore, #tpu.memory_space<semaphore_mem>> -> memref<!tpu.dma_semaphore, #tpu.memory_space<semaphore_mem>>
    %dma_wait3A_769 = arith.constant 0 : i32
    %dma_wait3A_770 = tpu.memref_slice %arg4[%add3A_758, %dma_wait3A_769] : memref<819200x128xf32, #tpu.memory_space<hbm>> -> memref<128x128xf32, #tpu.memory_space<hbm>>
    %dma_wait3A_771 = arith.constant 0 : i32
    %dma_wait3A_772 = arith.constant 0 : i32
    %dma_wait3A_773 = tpu.memref_slice %arg6[%dma_wait3A_759, %dma_wait3A_771, %dma_wait3A_772] : memref<4x128x128xf32, #tpu.memory_space<vmem>> -> memref<1x128x128xf32, #tpu.memory_space<vmem>>
    %dma_wait3A_774 = tpu.memref_squeeze %dma_wait3A_773 : memref<1x128x128xf32, #tpu.memory_space<vmem>> -> memref<128x128xf32, #tpu.memory_space<vmem>>
    tpu.wait_dma2 semaphore(%dma_wait3A_768 : memref<!tpu.dma_semaphore, #tpu.memory_space<semaphore_mem>>) src(%dma_wait3A_774 : memref<128x128xf32, #tpu.memory_space<vmem>>) dst(%dma_wait3A_770 : memref<128x128xf32, #tpu.memory_space<hbm>>)
    %dma_wait3A_775 = arith.constant 198 : i32
    %dma_wait3A_776 = arith.constant 2 : i32
    %dma_wait3A_777 = arith.constant 2 : i32
    %dma_wait3A_778 = arith.constant 0 : i32
    %dma_wait3A_779 = arith.constant 0 : i32
    %dma_wait3A_780 = tpu.memref_slice %arg6[%dma_wait3A_776, %dma_wait3A_778, %dma_wait3A_779] : memref<4x128x128xf32, #tpu.memory_space<vmem>> -> memref<1x128x128xf32, #tpu.memory_space<vmem>>
    %dma_wait3A_781 = tpu.memref_squeeze %dma_wait3A_780 : memref<1x128x128xf32, #tpu.memory_space<vmem>> -> memref<128x128xf32, #tpu.memory_space<vmem>>
    %dma_wait3A_782 = arith.constant 0 : i32
    %dma_wait3A_783 = tpu.memref_slice %arg5[%dma_wait3A_775, %dma_wait3A_782] : memref<200x128xi32, #tpu.memory_space<vmem>> -> memref<1x128xi32, #tpu.memory_space<vmem>>
    %dma_wait3A_784 = tpu.memref_squeeze %dma_wait3A_783 : memref<1x128xi32, #tpu.memory_space<vmem>> -> memref<128xi32, #tpu.memory_space<vmem>>
    %dma_wait3A_785 = arith.constant 0 : i32
    %dma_wait3A_786 = arith.constant 0 : i32
    %dma_wait3A_787 = tpu.memref_slice %arg7[%dma_wait3A_785, %dma_wait3A_786] : memref<256x128xf32, #tpu.memory_space<vmem_shared>> -> memref<256x128xf32, #tpu.memory_space<vmem_shared>>
    %dma_wait3A_788 = tpu.memref_slice %arg8[%dma_wait3A_777] : memref<4x!tpu.dma_semaphore, #tpu.memory_space<semaphore_mem>> -> memref<1x!tpu.dma_semaphore, #tpu.memory_space<semaphore_mem>>
    %dma_wait3A_789 = tpu.memref_squeeze %dma_wait3A_788 : memref<1x!tpu.dma_semaphore, #tpu.memory_space<semaphore_mem>> -> memref<!tpu.dma_semaphore, #tpu.memory_space<semaphore_mem>>
    tpu.wait_indirect_dma semaphore(%dma_wait3A_789 : memref<!tpu.dma_semaphore, #tpu.memory_space<semaphore_mem>>) src(%dma_wait3A_787 : memref<256x128xf32, #tpu.memory_space<vmem_shared>>) dst(%dma_wait3A_781 : memref<128x128xf32, #tpu.memory_space<vmem>>)
    %add3A_790 = arith.constant 25344 : i32
    %add3A_791 = arith.addi %mul3A_2, %add3A_790 : i32
    %dma_start3A_792 = arith.constant 2 : i32
    %dma_start3A_793 = arith.constant 2 : i32
    %dma_start3A_794 = arith.constant 0 : i32
    %dma_start3A_795 = arith.constant 0 : i32
    %dma_start3A_796 = tpu.memref_slice %arg6[%dma_start3A_792, %dma_start3A_794, %dma_start3A_795] : memref<4x128x128xf32, #tpu.memory_space<vmem>> -> memref<1x128x128xf32, #tpu.memory_space<vmem>>
    %dma_start3A_797 = tpu.memref_squeeze %dma_start3A_796 : memref<1x128x128xf32, #tpu.memory_space<vmem>> -> memref<128x128xf32, #tpu.memory_space<vmem>>
    %dma_start3A_798 = arith.constant 0 : i32
    %dma_start3A_799 = tpu.memref_slice %arg4[%add3A_791, %dma_start3A_798] : memref<819200x128xf32, #tpu.memory_space<hbm>> -> memref<128x128xf32, #tpu.memory_space<hbm>>
    %dma_start3A_800 = tpu.memref_slice %arg9[%dma_start3A_793] : memref<4x!tpu.dma_semaphore, #tpu.memory_space<semaphore_mem>> -> memref<1x!tpu.dma_semaphore, #tpu.memory_space<semaphore_mem>>
    %dma_start3A_801 = tpu.memref_squeeze %dma_start3A_800 : memref<1x!tpu.dma_semaphore, #tpu.memory_space<semaphore_mem>> -> memref<!tpu.dma_semaphore, #tpu.memory_space<semaphore_mem>>
    %dma_start3A_802 = arith.constant 0 : i32
    %dma_start3A_803 = tpu.memref_slice %arg4[%add3A_791, %dma_start3A_802] : memref<819200x128xf32, #tpu.memory_space<hbm>> -> memref<128x128xf32, #tpu.memory_space<hbm>>
    %dma_start3A_804 = arith.constant 0 : i32
    %dma_start3A_805 = arith.constant 0 : i32
    %dma_start3A_806 = tpu.memref_slice %arg6[%dma_start3A_792, %dma_start3A_804, %dma_start3A_805] : memref<4x128x128xf32, #tpu.memory_space<vmem>> -> memref<1x128x128xf32, #tpu.memory_space<vmem>>
    %dma_start3A_807 = tpu.memref_squeeze %dma_start3A_806 : memref<1x128x128xf32, #tpu.memory_space<vmem>> -> memref<128x128xf32, #tpu.memory_space<vmem>>
    tpu.enqueue_dma source(%dma_start3A_807 : memref<128x128xf32, #tpu.memory_space<vmem>>) target(%dma_start3A_803 : memref<128x128xf32, #tpu.memory_space<hbm>>) target_semaphore(%dma_start3A_801 : memref<!tpu.dma_semaphore, #tpu.memory_space<semaphore_mem>>)
    %add3A_808 = arith.constant 25344 : i32
    %add3A_809 = arith.addi %mul3A_2, %add3A_808 : i32
    %dma_wait3A_810 = arith.constant 2 : i32
    %dma_wait3A_811 = arith.constant 2 : i32
    %dma_wait3A_812 = arith.constant 0 : i32
    %dma_wait3A_813 = arith.constant 0 : i32
    %dma_wait3A_814 = tpu.memref_slice %arg6[%dma_wait3A_810, %dma_wait3A_812, %dma_wait3A_813] : memref<4x128x128xf32, #tpu.memory_space<vmem>> -> memref<1x128x128xf32, #tpu.memory_space<vmem>>
    %dma_wait3A_815 = tpu.memref_squeeze %dma_wait3A_814 : memref<1x128x128xf32, #tpu.memory_space<vmem>> -> memref<128x128xf32, #tpu.memory_space<vmem>>
    %dma_wait3A_816 = arith.constant 0 : i32
    %dma_wait3A_817 = tpu.memref_slice %arg4[%add3A_809, %dma_wait3A_816] : memref<819200x128xf32, #tpu.memory_space<hbm>> -> memref<128x128xf32, #tpu.memory_space<hbm>>
    %dma_wait3A_818 = tpu.memref_slice %arg9[%dma_wait3A_811] : memref<4x!tpu.dma_semaphore, #tpu.memory_space<semaphore_mem>> -> memref<1x!tpu.dma_semaphore, #tpu.memory_space<semaphore_mem>>
    %dma_wait3A_819 = tpu.memref_squeeze %dma_wait3A_818 : memref<1x!tpu.dma_semaphore, #tpu.memory_space<semaphore_mem>> -> memref<!tpu.dma_semaphore, #tpu.memory_space<semaphore_mem>>
    %dma_wait3A_820 = arith.constant 0 : i32
    %dma_wait3A_821 = tpu.memref_slice %arg4[%add3A_809, %dma_wait3A_820] : memref<819200x128xf32, #tpu.memory_space<hbm>> -> memref<128x128xf32, #tpu.memory_space<hbm>>
    %dma_wait3A_822 = arith.constant 0 : i32
    %dma_wait3A_823 = arith.constant 0 : i32
    %dma_wait3A_824 = tpu.memref_slice %arg6[%dma_wait3A_810, %dma_wait3A_822, %dma_wait3A_823] : memref<4x128x128xf32, #tpu.memory_space<vmem>> -> memref<1x128x128xf32, #tpu.memory_space<vmem>>
    %dma_wait3A_825 = tpu.memref_squeeze %dma_wait3A_824 : memref<1x128x128xf32, #tpu.memory_space<vmem>> -> memref<128x128xf32, #tpu.memory_space<vmem>>
    tpu.wait_dma2 semaphore(%dma_wait3A_819 : memref<!tpu.dma_semaphore, #tpu.memory_space<semaphore_mem>>) src(%dma_wait3A_825 : memref<128x128xf32, #tpu.memory_space<vmem>>) dst(%dma_wait3A_821 : memref<128x128xf32, #tpu.memory_space<hbm>>)
    %dma_wait3A_826 = arith.constant 199 : i32
    %dma_wait3A_827 = arith.constant 3 : i32
    %dma_wait3A_828 = arith.constant 3 : i32
    %dma_wait3A_829 = arith.constant 0 : i32
    %dma_wait3A_830 = arith.constant 0 : i32
    %dma_wait3A_831 = tpu.memref_slice %arg6[%dma_wait3A_827, %dma_wait3A_829, %dma_wait3A_830] : memref<4x128x128xf32, #tpu.memory_space<vmem>> -> memref<1x128x128xf32, #tpu.memory_space<vmem>>
    %dma_wait3A_832 = tpu.memref_squeeze %dma_wait3A_831 : memref<1x128x128xf32, #tpu.memory_space<vmem>> -> memref<128x128xf32, #tpu.memory_space<vmem>>
    %dma_wait3A_833 = arith.constant 0 : i32
    %dma_wait3A_834 = tpu.memref_slice %arg5[%dma_wait3A_826, %dma_wait3A_833] : memref<200x128xi32, #tpu.memory_space<vmem>> -> memref<1x128xi32, #tpu.memory_space<vmem>>
    %dma_wait3A_835 = tpu.memref_squeeze %dma_wait3A_834 : memref<1x128xi32, #tpu.memory_space<vmem>> -> memref<128xi32, #tpu.memory_space<vmem>>
    %dma_wait3A_836 = arith.constant 0 : i32
    %dma_wait3A_837 = arith.constant 0 : i32
    %dma_wait3A_838 = tpu.memref_slice %arg7[%dma_wait3A_836, %dma_wait3A_837] : memref<256x128xf32, #tpu.memory_space<vmem_shared>> -> memref<256x128xf32, #tpu.memory_space<vmem_shared>>
    %dma_wait3A_839 = tpu.memref_slice %arg8[%dma_wait3A_828] : memref<4x!tpu.dma_semaphore, #tpu.memory_space<semaphore_mem>> -> memref<1x!tpu.dma_semaphore, #tpu.memory_space<semaphore_mem>>
    %dma_wait3A_840 = tpu.memref_squeeze %dma_wait3A_839 : memref<1x!tpu.dma_semaphore, #tpu.memory_space<semaphore_mem>> -> memref<!tpu.dma_semaphore, #tpu.memory_space<semaphore_mem>>
    tpu.wait_indirect_dma semaphore(%dma_wait3A_840 : memref<!tpu.dma_semaphore, #tpu.memory_space<semaphore_mem>>) src(%dma_wait3A_838 : memref<256x128xf32, #tpu.memory_space<vmem_shared>>) dst(%dma_wait3A_832 : memref<128x128xf32, #tpu.memory_space<vmem>>)
    %add3A_841 = arith.constant 25472 : i32
    %add3A_842 = arith.addi %mul3A_2, %add3A_841 : i32
    %dma_start3A_843 = arith.constant 3 : i32
    %dma_start3A_844 = arith.constant 3 : i32
    %dma_start3A_845 = arith.constant 0 : i32
    %dma_start3A_846 = arith.constant 0 : i32
    %dma_start3A_847 = tpu.memref_slice %arg6[%dma_start3A_843, %dma_start3A_845, %dma_start3A_846] : memref<4x128x128xf32, #tpu.memory_space<vmem>> -> memref<1x128x128xf32, #tpu.memory_space<vmem>>
    %dma_start3A_848 = tpu.memref_squeeze %dma_start3A_847 : memref<1x128x128xf32, #tpu.memory_space<vmem>> -> memref<128x128xf32, #tpu.memory_space<vmem>>
    %dma_start3A_849 = arith.constant 0 : i32
    %dma_start3A_850 = tpu.memref_slice %arg4[%add3A_842, %dma_start3A_849] : memref<819200x128xf32, #tpu.memory_space<hbm>> -> memref<128x128xf32, #tpu.memory_space<hbm>>
    %dma_start3A_851 = tpu.memref_slice %arg9[%dma_start3A_844] : memref<4x!tpu.dma_semaphore, #tpu.memory_space<semaphore_mem>> -> memref<1x!tpu.dma_semaphore, #tpu.memory_space<semaphore_mem>>
    %dma_start3A_852 = tpu.memref_squeeze %dma_start3A_851 : memref<1x!tpu.dma_semaphore, #tpu.memory_space<semaphore_mem>> -> memref<!tpu.dma_semaphore, #tpu.memory_space<semaphore_mem>>
    %dma_start3A_853 = arith.constant 0 : i32
    %dma_start3A_854 = tpu.memref_slice %arg4[%add3A_842, %dma_start3A_853] : memref<819200x128xf32, #tpu.memory_space<hbm>> -> memref<128x128xf32, #tpu.memory_space<hbm>>
    %dma_start3A_855 = arith.constant 0 : i32
    %dma_start3A_856 = arith.constant 0 : i32
    %dma_start3A_857 = tpu.memref_slice %arg6[%dma_start3A_843, %dma_start3A_855, %dma_start3A_856] : memref<4x128x128xf32, #tpu.memory_space<vmem>> -> memref<1x128x128xf32, #tpu.memory_space<vmem>>
    %dma_start3A_858 = tpu.memref_squeeze %dma_start3A_857 : memref<1x128x128xf32, #tpu.memory_space<vmem>> -> memref<128x128xf32, #tpu.memory_space<vmem>>
    tpu.enqueue_dma source(%dma_start3A_858 : memref<128x128xf32, #tpu.memory_space<vmem>>) target(%dma_start3A_854 : memref<128x128xf32, #tpu.memory_space<hbm>>) target_semaphore(%dma_start3A_852 : memref<!tpu.dma_semaphore, #tpu.memory_space<semaphore_mem>>)
    %add3A_859 = arith.constant 25472 : i32
    %add3A_860 = arith.addi %mul3A_2, %add3A_859 : i32
    %dma_wait3A_861 = arith.constant 3 : i32
    %dma_wait3A_862 = arith.constant 3 : i32
    %dma_wait3A_863 = arith.constant 0 : i32
    %dma_wait3A_864 = arith.constant 0 : i32
    %dma_wait3A_865 = tpu.memref_slice %arg6[%dma_wait3A_861, %dma_wait3A_863, %dma_wait3A_864] : memref<4x128x128xf32, #tpu.memory_space<vmem>> -> memref<1x128x128xf32, #tpu.memory_space<vmem>>
    %dma_wait3A_866 = tpu.memref_squeeze %dma_wait3A_865 : memref<1x128x128xf32, #tpu.memory_space<vmem>> -> memref<128x128xf32, #tpu.memory_space<vmem>>
    %dma_wait3A_867 = arith.constant 0 : i32
    %dma_wait3A_868 = tpu.memref_slice %arg4[%add3A_860, %dma_wait3A_867] : memref<819200x128xf32, #tpu.memory_space<hbm>> -> memref<128x128xf32, #tpu.memory_space<hbm>>
    %dma_wait3A_869 = tpu.memref_slice %arg9[%dma_wait3A_862] : memref<4x!tpu.dma_semaphore, #tpu.memory_space<semaphore_mem>> -> memref<1x!tpu.dma_semaphore, #tpu.memory_space<semaphore_mem>>
    %dma_wait3A_870 = tpu.memref_squeeze %dma_wait3A_869 : memref<1x!tpu.dma_semaphore, #tpu.memory_space<semaphore_mem>> -> memref<!tpu.dma_semaphore, #tpu.memory_space<semaphore_mem>>
    %dma_wait3A_871 = arith.constant 0 : i32
    %dma_wait3A_872 = tpu.memref_slice %arg4[%add3A_860, %dma_wait3A_871] : memref<819200x128xf32, #tpu.memory_space<hbm>> -> memref<128x128xf32, #tpu.memory_space<hbm>>
    %dma_wait3A_873 = arith.constant 0 : i32
    %dma_wait3A_874 = arith.constant 0 : i32
    %dma_wait3A_875 = tpu.memref_slice %arg6[%dma_wait3A_861, %dma_wait3A_873, %dma_wait3A_874] : memref<4x128x128xf32, #tpu.memory_space<vmem>> -> memref<1x128x128xf32, #tpu.memory_space<vmem>>
    %dma_wait3A_876 = tpu.memref_squeeze %dma_wait3A_875 : memref<1x128x128xf32, #tpu.memory_space<vmem>> -> memref<128x128xf32, #tpu.memory_space<vmem>>
    tpu.wait_dma2 semaphore(%dma_wait3A_870 : memref<!tpu.dma_semaphore, #tpu.memory_space<semaphore_mem>>) src(%dma_wait3A_876 : memref<128x128xf32, #tpu.memory_space<vmem>>) dst(%dma_wait3A_872 : memref<128x128xf32, #tpu.memory_space<hbm>>)
    return
  }
}

module attributes {stable_mosaic.version = 14 : i64} {
  func.func @_ln_body(%arg0: memref<4x128xf32, #tpu.memory_space<vmem>>, %arg1: memref<1x128xf32, #tpu.memory_space<vmem>>, %arg2: memref<1x128xf32, #tpu.memory_space<vmem>>, %arg3: memref<64x4x128xf32, #tpu.memory_space<vmem>>) attributes {dimension_semantics = [], scalar_prefetch = 0 : i64, scratch_operands = 0 : i64, tpu.core_type = #tpu.core_type<tc>} {
    %get3A = arith.constant 0 : index
    %get3A_0 = arith.constant 0 : index
    %get3A_1 = vector.load %arg0[%get3A, %get3A_0] : memref<4x128xf32, #tpu.memory_space<vmem>>, vector<4x128xf32>
    %reduce_sum3A = arith.constant dense<0.000000e+00> : vector<4xf32>
    %reduce_sum3A_2 = vector.multi_reduction <add>, %get3A_1, %reduce_sum3A [1] : vector<4x128xf32> to vector<4xf32>
    %broadcast_in_dim3A = vector.shape_cast %reduce_sum3A_2 : vector<4xf32> to vector<4x1xf32>
    %div3A = arith.constant 1.280000e+02 : f32
    %div3A_3 = vector.broadcast %div3A : f32 to vector<4x1xf32>
    %div3A_4 = arith.divf %broadcast_in_dim3A, %div3A_3 : vector<4x1xf32>
    %sub3A = vector.broadcast %div3A_4 : vector<4x1xf32> to vector<4x128xf32>
    %sub3A_5 = arith.subf %get3A_1, %sub3A : vector<4x128xf32>
    %mul3A = arith.mulf %sub3A_5, %sub3A_5 : vector<4x128xf32>
    %reduce_sum3A_6 = arith.constant dense<0.000000e+00> : vector<4xf32>
    %reduce_sum3A_7 = vector.multi_reduction <add>, %mul3A, %reduce_sum3A_6 [1] : vector<4x128xf32> to vector<4xf32>
    %broadcast_in_dim3A_8 = vector.shape_cast %reduce_sum3A_7 : vector<4xf32> to vector<4x1xf32>
    %div3A_9 = arith.constant 1.280000e+02 : f32
    %div3A_10 = vector.broadcast %div3A_9 : f32 to vector<4x1xf32>
    %div3A_11 = arith.divf %broadcast_in_dim3A_8, %div3A_10 : vector<4x1xf32>
    %add3A = arith.constant 9.99999996E-13 : f32
    %add3A_12 = vector.broadcast %add3A : f32 to vector<4x1xf32>
    %add3A_13 = arith.addf %div3A_11, %add3A_12 : vector<4x1xf32>
    %rsqrt3A = math.rsqrt %add3A_13 : vector<4x1xf32>
    %mul3A_14 = vector.broadcast %rsqrt3A : vector<4x1xf32> to vector<4x128xf32>
    %mul3A_15 = arith.mulf %sub3A_5, %mul3A_14 : vector<4x128xf32>
    %get3A_16 = arith.constant 0 : index
    %get3A_17 = arith.constant 0 : index
    %get3A_18 = vector.load %arg1[%get3A_16, %get3A_17] : memref<1x128xf32, #tpu.memory_space<vmem>>, vector<1x128xf32>
    %mul3A_19 = vector.broadcast %get3A_18 : vector<1x128xf32> to vector<4x128xf32>
    %mul3A_20 = arith.mulf %mul3A_15, %mul3A_19 : vector<4x128xf32>
    %get3A_21 = arith.constant 0 : index
    %get3A_22 = arith.constant 0 : index
    %get3A_23 = vector.load %arg2[%get3A_21, %get3A_22] : memref<1x128xf32, #tpu.memory_space<vmem>>, vector<1x128xf32>
    %add3A_24 = vector.broadcast %get3A_23 : vector<1x128xf32> to vector<4x128xf32>
    %add3A_25 = arith.addf %mul3A_20, %add3A_24 : vector<4x128xf32>
    %broadcast_in_dim3A_26 = vector.shape_cast %add3A_25 : vector<4x128xf32> to vector<1x4x128xf32>
    %broadcast_in_dim3A_27 = vector.shape_cast %broadcast_in_dim3A_26 : vector<1x4x128xf32> to vector<1x4x128xf32>
    %broadcast_in_dim3A_28 = vector.broadcast %broadcast_in_dim3A_27 : vector<1x4x128xf32> to vector<64x4x128xf32>
    %swap3A = arith.constant 0 : index
    %swap3A_29 = arith.constant 0 : index
    %swap3A_30 = arith.constant 0 : index
    %swap3A_31 = vector.load %arg3[%swap3A, %swap3A_29, %swap3A_30] : memref<64x4x128xf32, #tpu.memory_space<vmem>>, vector<64x4x128xf32>
    tpu.vector_store %arg3[%swap3A, %swap3A_29, %swap3A_30], %broadcast_in_dim3A_28 {strides = array<i32>} : memref<64x4x128xf32, #tpu.memory_space<vmem>>, vector<64x4x128xf32>,
    return
  }
}

</mosaic_0001>

<sc_bundles>
// kernel: kernel.4.cloned.1.call-start
scs
__scs_entry_jumppad:
0x0: {  	(pc) =	sbr.rel $0x88, $3  }
0x1: {  	(tag) =	ssettag $0x0;
	lr =	simm.s32 $0x1  }
0x2: {  	[smem:$0x3F9D] =	sst lr;
	_ =	strace $0xD0000000  }
0x3: {  	_ = 	snop  }
0x4: {  	_ = 	snop  }
0x5: {  	_ = 	snop  }
0x6: {  	_ = 	snop  }
0x7: {  	_ = 	snop  }
__scs_overlays_trampoline_lowered:
0x8: {  	[smem:$0x3FAC] =	sst s0  }
0x9: {  	[smem:$0x3FAD] =	sst s1  }
0xa: {  	[smem:$0x3FAE] =	sst s2  }
0xb: {  	[smem:$0x3FAF] =	sst s3  }
0xc: {  	[smem:$0x3FB0] =	sst s4  }
0xd: {  	[smem:$0x3FB1] =	sst s5  }
0xe: {  	[smem:$0x3FB2] =	sst s6  }
0xf: {  	[smem:$0x3FB3] =	sst s7  }
0x10: {  	[smem:$0x3FB4] =	sst s8  }
0x11: {  	[smem:$0x3FB5] =	sst s9;
	s0 =	simm.s32 @!p0 $0x0  }
0x12: {  	s1 =	sld [smem:$0x3F9B];
	s0 =	simm.s32 @p0 $0x1  }
0x13: {  	[smem:$0x3FB6] =	sst s0;
	s0 =	simm.s32 @!p1 $0x0  }
0x14: {  	s2 =	sld [smem:$0x3F9A];
	s0 =	simm.s32 @p1 $0x1  }
0x15: {  	[smem:$0x3FB7] =	sst s0;
	s0 =	simm.s32 @!p2 $0x0  }
0x16: {  	s3 =	sld [smem:$0x3FDB];
	s0 =	simm.s32 @p2 $0x1  }
0x17: {  	s4 =	simm.s32 $0x1BF5;
	[smem:$0x3FB9] =	sst s0  }
0x18: {  	s0 =	sld [smem:$0x3F9C];
	_ =	swait.ge [sflag:s4], $0x0  }
0x19: {  	s7 =	sld [smem:$0x3F9D]  }
0x1a: {  	s8 =	sadd.s32 $0xFFFFE003, lr  }
0x1b: {  	s9 =	sadd.s32 $0xFFFFFEF7, lr;
	s5 =	simm.s32 $0xFFFFFFFF;
	p2 =	slt.u32 s8, $0xFFFFF086  }
0x1c: {  	p1 =	slt.u32 s9, $0xF7A;
	s5 =	simm.s32 @!p2 $0x0  }
0x1d: {  	s5 =	simm.s32 @p1 $0x1;
	p0 =	seq.s32 s7, s2  }
0x1e: {  	s7 =	smul.u32 @!p0 $0xF7A, s2;
	p2 =	seq.s32 @!p0 s5, $0x0  }
0x1f: {  	s9 =	smul.u32 $0xF7A, s1;
	s8 =	simm.s32 @!p0 $0x1BF5;
	p2 =	por !p2, p0  }
0x20: {  	[sflag:s8] =	ssyncset.s32 @!p0 $0xFFFFF086;
	s6 =	sadd.s32 @!p0 s3, s7;
	s7 =	simm.s32 @!p0 $0x108  }
0x21: {  	s3 =	sadd.s32 s3, s9;
	s6 =	sadd.s32 @!p0 $0x88, s6;
	s7 =	simm.s32 @p2 $0x1082  }
0x22: {  	[simem:s7], [sflag:s8] =	dma.local @!p0 [hbm:s6], $0xF7A  }
0x23: {  	s9 =	sor.u32 $0xD0000000, s2;
	s6 =	simm.s32 $0x108;
	_ =	swait.ge @!p0 [sflag:s8], $0x0  }
0x24: {  	s3 =	sadd.s32 $0x88, s3;
	s6 =	simm.s32 @!p1 $0x1082;
	[sflag:s4] =	ssyncset.s32 $0xFFFFF086  }
0x25: {  	[simem:s6], [sflag:s4] =	dma.local [hbm:s3], $0xF7A  }
0x26: {  	[smem:$0x3F9D] =	sst s1;
	(tag) =	ssettag s2;
	_ =	strace s9  }
0x27: {  	s1 =	sld [smem:$0x3FAD]  }
0x28: {  	s2 =	sld [smem:$0x3FAE]  }
0x29: {  	s4 =	sld [smem:$0x3FB0]  }
0x2a: {  	p0 =	seq.s32 s5, $0x0;
	s5 =	sld [smem:$0x3FB1]  }
0x2b: {  	s6 =	sld [smem:$0x3FB2]  }
0x2c: {  	s7 =	sld [smem:$0x3FB3]  }
0x2d: {  	s3 =	simm.s32 $0x108;
	s8 =	sld [smem:$0x3FB4]  }
0x2e: {  	s3 =	simm.s32 @!p0 $0x1082;
	s9 =	sld [smem:$0x3FB5]  }
0x2f: {  	lr =	sadd.s32 s0, s3;
	s0 =	sld [smem:$0x3FAC]  }
0x30: {  	s3 =	sld [smem:$0x3FAF]  }
0x31: {  	[smem:$0x3FB8] =	sst s10  }
0x32: {  	s10 =	sld [smem:$0x3FB6];
	_ =	sdelay $0x3  }
0x33: {  	p0 =	seq.s32 s10, $0x1;
	s10 =	sld [smem:$0x3FB8];
	_ =	sdelay $0x3  }
0x34: {  	[smem:$0x3FB8] =	sst s10  }
0x35: {  	s10 =	sld [smem:$0x3FB7];
	_ =	sdelay $0x3  }
0x36: {  	p1 =	seq.s32 s10, $0x1;
	s10 =	sld [smem:$0x3FB8];
	_ =	sdelay $0x3  }
0x37: {  	[smem:$0x3FB8] =	sst s10  }
0x38: {  	s10 =	sld [smem:$0x3FB9]  }
0x39: {  	_ = 	snop;
	(pc) =	sbr.ind lr, $3  }
0x3a: {  	_ = 	snop  }
0x3b: {  	_ = 	snop  }
0x3c: {  	p2 =	seq.s32 s10, $0x1;
	s10 =	sld [smem:$0x3FB8]  }
0x3d: {  	_ =	shalt  }
0x3e: {  	_ =	shalt  }
0x3f: {  	_ =	shalt  }
0x40: {  	_ =	shalt  }
0x41: {  	_ =	shalt  }
0x42: {  	_ =	shalt  }
0x43: {  	_ =	shalt  }
0x44: {  	_ =	shalt  }
0x45: {  	_ =	shalt  }
0x46: {  	_ =	shalt  }
0x47: {  	_ =	shalt  }
0x48: {  	_ =	shalt  }
0x49: {  	_ =	shalt  }
0x4a: {  	_ =	shalt  }
0x4b: {  	_ =	shalt  }
0x4c: {  	_ =	shalt  }
0x4d: {  	_ =	shalt  }
0x4e: {  	_ =	shalt  }
0x4f: {  	_ =	shalt  }
0x50: {  	_ =	shalt  }
0x51: {  	_ =	shalt  }
0x52: {  	_ =	shalt  }
0x53: {  	_ =	shalt  }
0x54: {  	_ =	shalt  }
0x55: {  	_ =	shalt  }
0x56: {  	_ =	shalt  }
0x57: {  	_ =	shalt  }
0x58: {  	_ =	shalt  }
0x59: {  	_ =	shalt  }
0x5a: {  	_ =	shalt  }
0x5b: {  	_ =	shalt  }
0x5c: {  	_ =	shalt  }
0x5d: {  	_ =	shalt  }
0x5e: {  	_ =	shalt  }
0x5f: {  	_ =	shalt  }
0x60: {  	_ =	shalt  }
0x61: {  	_ =	shalt  }
0x62: {  	_ =	shalt  }
0x63: {  	_ =	shalt  }
0x64: {  	_ =	shalt  }
0x65: {  	_ =	shalt  }
0x66: {  	_ =	shalt  }
0x67: {  	_ =	shalt  }
0x68: {  	_ =	shalt  }
0x69: {  	_ =	shalt  }
0x6a: {  	_ =	shalt  }
0x6b: {  	_ =	shalt  }
0x6c: {  	_ =	shalt  }
0x6d: {  	_ =	shalt  }
0x6e: {  	_ =	shalt  }
0x6f: {  	_ =	shalt  }
0x70: {  	_ =	shalt  }
0x71: {  	_ =	shalt  }
0x72: {  	_ =	shalt  }
0x73: {  	_ =	shalt  }
0x74: {  	_ =	shalt  }
0x75: {  	_ =	shalt  }
0x76: {  	_ =	shalt  }
0x77: {  	_ =	shalt  }
0x78: {  	_ =	shalt  }
0x79: {  	_ =	shalt  }
0x7a: {  	_ =	shalt  }
0x7b: {  	_ =	shalt  }
0x7c: {  	_ =	shalt  }
0x7d: {  	_ =	shalt  }
0x7e: {  	_ =	shalt  }
0x7f: {  	_ =	shalt  }
0x80: {  	_ =	shalt  }
0x81: {  	_ =	shalt  }
0x82: {  	_ =	shalt  }
0x83: {  	_ =	shalt  }
0x84: {  	_ =	shalt  }
0x85: {  	_ =	shalt  }
0x86: {  	_ =	shalt  }
0x87: {  	_ =	shalt  }
.Lfunc_end0:
.L_simem_size_0:
called_computation_lowered:
.L_overlay_start_0:
0x88: {  	s2 =	sld [smem:$0x3FD9]  }
0x89: {  	s3 =	sld [smem:$0x3FFE];
	_ =	sdelay $0x1  }
0x8a: {  	s1 =	srdreg.scid  }
0x8b: {  	s0 =	sand.u32 $0x1, s1  }
0x8c: {  	s17 =	sshll.u32 s0, $0xA;
	s2 =	sadd.s32 s3, s2  }
0x8d: {  	s2 =	sadd.s32 s2, s17  }
0x8e: {  	[smem:$0x3FC4] =	sst s2  }
0x8f: {  	_ = 	snop  }
0x90: {  	s2 =	sld [smem:$0x3FD0];
	(tm) =	ssettm $0x1  }
0x91: {  	s18 =	sld [smem:$0x3FFB];
	_ =	sdelay $0x3  }
0x92: {  	_ =	strace s18  }
0x93: {  	s3 =	sld [smem:$0x3FFC];
	_ =	sdelay $0x3  }
0x94: {  	_ =	strace s3  }
0x95: {  	s3 =	sld [smem:$0x3FFD];
	_ =	sdelay $0x3  }
0x96: {  	_ =	strace s3  }
0x97: {  	_ =	strace $0x8FFFFFFF  }
0x98: {  	s19 =	sld [smem:$0x3FDB];
	_ =	sdelay $0x1  }
0x99: {  	s4 =	simm.s32 $_scs_section_size  }
0x9a: {  	s5 =	simm.s32 $_size__tile_overlayer_lowered;
	s6 =	simm.s32 $_tile_overlayer_lowered  }
0x9b: {  	s22 =	simm.s32 $0x1BFF;
	s21 =	sshll.u32 s6, $0x1;
	s3 =	sadd.s32 s4, s19  }
0x9c: {  	s7 =	simm.s32 $0x0;
	s20 =	sshll.u32 s5, $0x1;
	s5 =	sadd.s32 s21, s3  }
0x9d: {  	[timem:s7], [sflag:s22] =	dma.local [hbm:s5], s20  }
0x9e: {  	_ =	swait.ge [sflag:s22], s20  }
0x9f: {  	s4 =	ssub.s32 $0x0, s20;
	[sflag:s22] =	ssyncset.done $0x0  }
0xa0: {  	[sflag:s22] =	ssyncadd.s32 s4;
	_ =	sdelay $0x1  }
0xa1: {  	s23 =	simm.s32 $0x1B8B  }
0xa2: {  	_ =	swait.ge [sflag:s23], $0x1  }
0xa3: {  	[sflag:s23] =	ssyncset.done $0x0  }
0xa4: {  	s25 =	simm.s32 $0x1B8E;
	s24 =	sld [smem:$0x3FFE];
	[sflag:s23] =	ssyncadd.s32 $0xFFFFFFFF  }
0xa5: {  	s26 =	simm.s32 $execute0_lowered;
	[smem:$0x3FD2] =	sst s25  }
0xa6: {  	s5 =	sshll.u32 s26, $0x1;
	_ =	strace $0x80000046;
	[dreg:$0x1] =	wrdreg $0xFFFFFFFF  }
0xa7: {  	s28 =	simm.s32 $_size_execute0_lowered;
	s3 =	sadd.s32 s3, s5;
	[dreg:$0x0] =	wrdreg $0x0  }
0xa8: {  	s5 =	sshll.u32 s28, $0x1;
	[dreg:$0x2] =	wrdreg s3  }
0xa9: {  	[dreg:$0x3] =	wrdreg s5  }
0xaa: {  	[dreg:$0x4] =	wrdreg $0xC0  }
0xab: {  	_ =	task [dreg:s7], $0x5FFFF  }
0xac: {  	[dreg:$0x1] =	wrdreg $0xFFFFFFFF  }
0xad: {  	[dreg:$0x0] =	wrdreg $0x60  }
0xae: {  	[dreg:$0x2] =	wrdreg s24  }
0xaf: {  	[dreg:$0x3] =	wrdreg s2  }
0xb0: {  	[dreg:$0x4] =	wrdreg $0x164000  }
0xb1: {  	[dreg:$0x5] =	wrdreg $0x9  }
0xb2: {  	_ =	task.clear_ibuf [dreg:s7], $0x6FFFF;
	_ =	strace $0x90000046  }
0xb3: {  	s29 =	simm.s32 $0x9;
	_ =	strace $0x80000048  }
0xb4: {  	_ =	swait.ge [sflag:s29], $0x1  }
0xb5: {  	[sflag:s29] =	ssyncadd.s32 $0xFFFFFFFF  }
0xb6: {  	_ =	strace $0x90000048  }
0xb7: {  	_ =	sfence  }
0xb8: {  	s30 =	sld [smem:$0x0];
	_ =	sdelay $0x2  }
0xb9: {  	s31 =	sshll.u32 s1, $0xD;
	s1 =	sshrl.u32 s1, $0x2  }
0xba: {  	s3 =	sand.u32 $0x4000, s31;
	s1 =	sadd.s32 s1, s30  }
0xbb: {  	s0 =	sor.u32 s3, s0;
	s1 =	sshll.u32 s1, $0x11  }
0xbc: {  	s0 =	sor.u32 s1, s0  }
0xbd: {  	s0 =	sadd.s32 $0x8F2B, s0  }
0xbe: {  	[sflag:s0] =	ssyncadd.remote.s32 $0x1  }
0xbf: {  	_ =	sfence.sel $0xFFFF  }
0xc0: {  	[dreg:$0x0] =	wrdreg $0xFFFFFFFF;
	(pc) =	sbr.abs _section_cstart, $3  }
0xc1: {  	[dreg:$0x1] =	wrdreg $0xFFFFFFFF  }
0xc2: {  	_ =	task.clear_ibuf [dreg:s7], $0x2FFFF;
	_ =	strace $0x9FFFFFFF  }
0xc3: {  	(tm) =	ssettm $0x7FFFFFFF  }
tec
execute0_lowered:
.L_overlay_start_1:
0x0: {  	(tag) =	ssettag $0x1  }
0x1: {  	s0 =	rddreg [dreg:$0x0]  }
0x2: {  	s1 =	rddreg [dreg:$0x1]  }
0x3: {  	s3 =	srdreg.scid;
	s10 =	stileid.u32  }
0x4: {  	s2 =	rddreg [dreg:$0x2];
	s28 =	simm.s32 $0x5;
	s29 =	simm.s32 $0x2  }
0x5: {  	s30 =	simm.s32 $0x6;
	s31 =	simm.s32 $0x3;
	s4 =	sand.u32 $0x1, s3  }
0x6: {  	s5 =	sshll.u32 s10, $0x1;
	s3 =	simm.s32 $0x0;
	s20 =	smul.u32 $0x640000, s10  }
0x7: {  	s8 =	sshll.u32 s10, $0x8;
	s15 =	sshll.u32 s10, $0xB;
	s12 =	smul.u32 $0xC8000, s10  }
0x8: {  	s16 =	sshll.u32 s10, $0x6;
	s5 =	sor.u32 s4, s5;
	s21 =	smul.u32 $0x320000, s4  }
0x9: {  	[smem:$0x7FF] =	sst s3;
	s7 =	ssub.s32 $0x2, s4;
	s4 =	smul.u32 $0x64000, s4  }
0xa: {  	s17 =	sor.u32 $0x1C0A, s16;
	s16 =	simm.s32 $0xA;
	s6 =	smul.u32 $0x6400, s5  }
0xb: {  	_ =	strace $0x80000047;
	s9 =	sshrl.u32 s7, $0x1;
	s5 =	smul.u32 $0x320000, s5  }
0xc: {  	[dreg:$0x5] =	wrdreg s17;
	s25 =	sadd.s32 s12, s1;
	s17 =	simm.s32 $0x8  }
0xd: {  	s7 =	ssub.s32 s7, s9;
	s26 =	sadd.s32 s4, s25;
	s25 =	simm.s32 $0x9  }
0xe: {  	s6 =	sshrl.u32 s6, $0x3;
	s19 =	sshrl.u32 s5, $0x3;
	s5 =	sadd.s32 s21, s20  }
0xf: {  	s12 =	smax.u32 s7, $0x1;
	s7 =	sadd.s32 $0x1800, s26;
	s20 =	simm.s32 $0xA400  }
0x10: {  	s26 =	simm.s32 $0x1;
	s6 =	sadd.s32 s6, s0;
	s0 =	sadd.s32 s8, s0  }
0x11: {  	s21 =	simm.s32 $0x0;
	s8 =	sadd.s32 s15, s2;
	s0 =	sadd.s32 $0x19C00, s0  }
0x12: {  	s24 =	sshrl.u32 s5, $0x3;
	s18 =	sadd.s32 $0xC00, s6;
	[dreg:$0x4] =	wrdreg s0  }
0x13: {  	s6 =	sadd.s32 $0xC80, s6;
	s15 =	sshrl.u32 s8, $0x3;
	[dreg:$0x6] =	wrdreg s18  }
0x14: {  	[dreg:$0x7] =	wrdreg s6;
	s0 =	sadd.s32 s1, s19;
	s6 =	sadd.s32 s24, s1  }
0x15: {  	v0 =	vlaneseq.u32;
	s18 =	simm.s32 $0x80;
	s19 =	simm.s32 $0x6400;
	s24 =	simm.s32 $0x12400  }
0x16: {  	v0 =	vmul.u32 $0x4, v0;
	s1 =	simm.s32 $0x7;
	s22 =	sadd.s32 $0x62000, s0;
	s23 =	sadd.s32 $0x62800, s0  }
0x17: {  	s10 =	sadd.s32 $0x63000, s0;
	s11 =	sadd.s32 $0x63800, s0;
	[dreg:$0x8] =	wrdreg s22  }
0x18: {  	v1 =	vor.u32 $0x40, v0;
	v2 =	vor.u32 $0x80, v0;
	v3 =	vor.u32 $0xC0, v0;
	s0 =	simm.s32 $0x4;
	[dreg:$0x9] =	wrdreg s23;
	s22 =	simm.s32 $0xE400  }
.LBB2_1:
0x19: {  	s4 =	rddreg [dreg:$0x4]  }
0x1a: {  	s5 =	rddreg [dreg:$0x5]  }
0x1b: {  	[spmem:s15], [sflag:s5] =	dma.local [hbm:s4], $0x100  }
0x1c: {  	_ =	swait.ge [sflag:s16], $0x100  }
0x1d: {  	[sflag:s16] =	ssyncset.done $0x0  }
0x1e: {  	s13 =	rddreg [dreg:$0x6];
	[sflag:s16] =	ssyncadd.s32 $0xFFFFFF00  }
0x1f: {  	[tilespmem:s3], [sflag:$0xA] =	stream.linear.gather [hbm4b:s13+s3], $0x400, $0x38;
	[tilespmem:$0x16C00] =	vst v63  }
0x20: {  	_ =	swait.ge [sflag:s16], $0x400  }
0x21: {  	[sflag:s16] =	ssyncset.done $0x0  }
0x22: {  	s23 =	simm.s32 $0x400;
	s14 =	rddreg [dreg:$0x7];
	[sflag:s16] =	ssyncadd.s32 $0xFFFFFC00  }
0x23: {  	[tilespmem:s23], [sflag:$0x9] =	stream.linear.gather [hbm4b:s14+s3], $0x6000, $0x38;
	[tilespmem:$0x16C00] =	vst v63  }
0x24: {  	[bflag:$0x0] =	sbarrier.arrive $0xFFFF  }
0x25: {  	v4 =	vld [tilespmem:$0x0]  }
0x26: {  	v5 =	vld [tilespmem:$0x10]  }
0x27: {  	v6 =	vld [tilespmem:$0x20]  }
0x28: {  	v7 =	vld [tilespmem:$0x30]  }
0x29: {  	v8 =	vld [tilespmem:$0x40]  }
0x2a: {  	v9 =	vld [tilespmem:$0x50];
	v4 =	vadd.s32 v0, v4  }
0x2b: {  	[tilespmem:$0x0] =	vst v4;
	v4 =	vadd.s32 v1, v5;
	v5 =	vld [tilespmem:$0x60]  }
0x2c: {  	[tilespmem:$0x10] =	vst v4;
	v4 =	vadd.s32 v2, v6;
	v6 =	vld [tilespmem:$0x70]  }
0x2d: {  	[tilespmem:$0x20] =	vst v4;
	v4 =	vadd.s32 v3, v7  }
0x2e: {  	[tilespmem:$0x30] =	vst v4;
	v4 =	vadd.s32 v0, v8  }
0x2f: {  	[tilespmem:$0x40] =	vst v4;
	v4 =	vadd.s32 v1, v9  }
0x30: {  	[tilespmem:$0x50] =	vst v4;
	v4 =	vadd.s32 v2, v5  }
0x31: {  	[tilespmem:$0x60] =	vst v4;
	v4 =	vadd.s32 v3, v6  }
0x32: {  	[tilespmem:$0x70] =	vst v4  }
0x33: {  	[tilespmem:s19], [sflag:$0x1] =	stream.indirect.gather [spmem:s2], $0x80, s3, s18, $0xb8;
	[tilespmem:$0x16C00] =	vst v63  }
0x34: {  	v4 =	vld [tilespmem:$0x80]  }
0x35: {  	v5 =	vld [tilespmem:$0x90]  }
0x36: {  	v6 =	vld [tilespmem:$0xA0]  }
0x37: {  	v7 =	vld [tilespmem:$0xB0]  }
0x38: {  	v8 =	vld [tilespmem:$0xC0]  }
0x39: {  	v9 =	vld [tilespmem:$0xD0];
	v4 =	vadd.s32 v0, v4  }
0x3a: {  	[tilespmem:$0x80] =	vst v4;
	v4 =	vadd.s32 v1, v5;
	v5 =	vld [tilespmem:$0xE0]  }
0x3b: {  	[tilespmem:$0x90] =	vst v4;
	v4 =	vadd.s32 v2, v6;
	v6 =	vld [tilespmem:$0xF0]  }
0x3c: {  	[tilespmem:$0xA0] =	vst v4;
	v4 =	vadd.s32 v3, v7  }
0x3d: {  	[tilespmem:$0xB0] =	vst v4;
	v4 =	vadd.s32 v0, v8  }
0x3e: {  	[tilespmem:$0xC0] =	vst v4;
	v4 =	vadd.s32 v1, v9  }
0x3f: {  	[tilespmem:$0xD0] =	vst v4;
	v4 =	vadd.s32 v2, v5  }
0x40: {  	[tilespmem:$0xE0] =	vst v4;
	v4 =	vadd.s32 v3, v6  }
0x41: {  	[tilespmem:$0xF0] =	vst v4  }
0x42: {  	[tilespmem:s20], [sflag:$0x2] =	stream.indirect.gather [spmem:s2], $0x80, s18, s18, $0xb8;
	[tilespmem:$0x16C00] =	vst v63  }
0x43: {  	v4 =	vld [tilespmem:$0x100]  }
0x44: {  	v5 =	vld [tilespmem:$0x110]  }
0x45: {  	v6 =	vld [tilespmem:$0x120]  }
0x46: {  	v7 =	vld [tilespmem:$0x130]  }
0x47: {  	v8 =	vld [tilespmem:$0x140]  }
0x48: {  	v9 =	vld [tilespmem:$0x150];
	v4 =	vadd.s32 v0, v4  }
0x49: {  	[tilespmem:$0x100] =	vst v4;
	v4 =	vadd.s32 v1, v5;
	v5 =	vld [tilespmem:$0x160]  }
0x4a: {  	[tilespmem:$0x110] =	vst v4;
	v4 =	vadd.s32 v2, v6;
	v6 =	vld [tilespmem:$0x170]  }
0x4b: {  	[tilespmem:$0x120] =	vst v4;
	v4 =	vadd.s32 v3, v7  }
0x4c: {  	[tilespmem:$0x130] =	vst v4;
	v4 =	vadd.s32 v0, v8  }
0x4d: {  	[tilespmem:$0x140] =	vst v4;
	v4 =	vadd.s32 v1, v9  }
0x4e: {  	[tilespmem:$0x150] =	vst v4;
	v4 =	vadd.s32 v2, v5  }
0x4f: {  	[tilespmem:$0x160] =	vst v4;
	v4 =	vadd.s32 v3, v6  }
0x50: {  	s5 =	simm.s32 $0x100;
	[tilespmem:$0x170] =	vst v4  }
0x51: {  	[tilespmem:s22], [sflag:$0x3] =	stream.indirect.gather [spmem:s2], $0x80, s5, s18, $0xb8;
	[tilespmem:$0x16C00] =	vst v63  }
0x52: {  	v4 =	vld [tilespmem:$0x180]  }
0x53: {  	v5 =	vld [tilespmem:$0x190]  }
0x54: {  	v6 =	vld [tilespmem:$0x1A0]  }
0x55: {  	v7 =	vld [tilespmem:$0x1B0]  }
0x56: {  	v8 =	vld [tilespmem:$0x1C0]  }
0x57: {  	v9 =	vld [tilespmem:$0x1D0];
	v4 =	vadd.s32 v0, v4  }
0x58: {  	[tilespmem:$0x180] =	vst v4;
	v4 =	vadd.s32 v1, v5;
	v5 =	vld [tilespmem:$0x1E0]  }
0x59: {  	[tilespmem:$0x190] =	vst v4;
	v4 =	vadd.s32 v2, v6;
	v6 =	vld [tilespmem:$0x1F0]  }
0x5a: {  	[tilespmem:$0x1A0] =	vst v4;
	v4 =	vadd.s32 v3, v7  }
0x5b: {  	[tilespmem:$0x1B0] =	vst v4;
	v4 =	vadd.s32 v0, v8  }
0x5c: {  	[tilespmem:$0x1C0] =	vst v4;
	v4 =	vadd.s32 v1, v9  }
0x5d: {  	[tilespmem:$0x1D0] =	vst v4;
	v4 =	vadd.s32 v2, v5  }
0x5e: {  	[tilespmem:$0x1E0] =	vst v4;
	v4 =	vadd.s32 v3, v6  }
0x5f: {  	s8 =	simm.s32 $0x180;
	[tilespmem:$0x1F0] =	vst v4  }
0x60: {  	[tilespmem:s24], [sflag:$0x4] =	stream.indirect.gather [spmem:s2], $0x80, s8, s18, $0xb8;
	[tilespmem:$0x16C00] =	vst v63  }
0x61: {  	_ =	swait.ge [sflag:s25], $0x6000  }
0x62: {  	[sflag:s25] =	ssyncset.done $0x0  }
0x63: {  	s23 =	simm.s32 $0x0;
	[sflag:s25] =	ssyncadd.s32 $0xFFFFA000  }
0x64: {  	v5 =	vld [tilespmem:s23+$0x220]  }
0x65: {  	v4 =	vld [tilespmem:s23+$0x210]  }
0x66: {  	v6 =	vld [tilespmem:s23+$0x240]  }
0x67: {  	v8 =	vld [tilespmem:s23+$0x230]  }
0x68: {  	v9 =	vld [tilespmem:s23+$0x270]  }
0x69: {  	v10 =	vld [tilespmem:s23+$0x260];
	v5 =	vadd.s32 v2, v5  }
0x6a: {  	v7 =	vld [tilespmem:s23+$0x200];
	v4 =	vadd.s32 v1, v4;
	[tilespmem:s23+$0x220] =	vst v5  }
0x6b: {  	v5 =	vadd.s32 v0, v6;
	v6 =	vld [tilespmem:s23+$0x250];
	[tilespmem:s23+$0x210] =	vst v4  }
0x6c: {  	v4 =	vadd.s32 v3, v8;
	[tilespmem:s23+$0x240] =	vst v5  }
0x6d: {  	[tilespmem:s23+$0x230] =	vst v4;
	v4 =	vadd.s32 v3, v9  }
0x6e: {  	v5 =	vadd.s32 v2, v10;
	[tilespmem:s23+$0x270] =	vst v4  }
0x6f: {  	[tilespmem:s23+$0x260] =	vst v5;
	v5 =	vadd.s32 v0, v7  }
0x70: {  	[tilespmem:s23+$0x200] =	vst v5;
	v4 =	vadd.s32 v1, v6  }
0x71: {  	[tilespmem:s23+$0x250] =	vst v4  }
0x72: {  	_ =	swait.ge [sflag:s26], $0x4000  }
0x73: {  	[sflag:s26] =	ssyncset.done $0x0  }
0x74: {  	[sflag:s26] =	ssyncadd.s32 $0xFFFFC000  }
0x75: {  	[hbm4b:s6+s3] =	stream.linear.scatter [tilespmem:s19], [sflag:$0x5], $0x4000, $0x38;
	[tilespmem:$0x16C00] =	vst v63  }
0x76: {  	_ =	swait.ge [sflag:s28], $0x4000  }
0x77: {  	[sflag:s28] =	ssyncset.done $0x0  }
0x78: {  	s9 =	simm.s32 $0x200;
	[sflag:s28] =	ssyncadd.s32 $0xFFFFC000  }
0x79: {  	[tilespmem:s19], [sflag:$0x1] =	stream.indirect.gather [spmem:s2], $0x80, s9, s18, $0xb8;
	[tilespmem:$0x16C00] =	vst v63  }
0x7a: {  	v4 =	vld [tilespmem:s23+$0x2F0]  }
0x7b: {  	v5 =	vld [tilespmem:s23+$0x290]  }
0x7c: {  	v6 =	vld [tilespmem:s23+$0x280]  }
0x7d: {  	v7 =	vld [tilespmem:s23+$0x2B0]  }
0x7e: {  	v8 =	vld [tilespmem:s23+$0x2C0]  }
0x7f: {  	v9 =	vld [tilespmem:s23+$0x2D0];
	v4 =	vadd.s32 v3, v4  }
0x80: {  	v10 =	vld [tilespmem:s23+$0x2E0];
	v5 =	vadd.s32 v1, v5;
	[tilespmem:s23+$0x2F0] =	vst v4  }
0x81: {  	[tilespmem:s23+$0x290] =	vst v5;
	v4 =	vadd.s32 v0, v6;
	v5 =	vld [tilespmem:s23+$0x2A0]  }
0x82: {  	[tilespmem:s23+$0x280] =	vst v4;
	v4 =	vadd.s32 v3, v7  }
0x83: {  	[tilespmem:s23+$0x2B0] =	vst v4;
	v4 =	vadd.s32 v0, v8  }
0x84: {  	[tilespmem:s23+$0x2C0] =	vst v4;
	v4 =	vadd.s32 v1, v9  }
0x85: {  	[tilespmem:s23+$0x2D0] =	vst v4;
	v4 =	vadd.s32 v2, v10  }
0x86: {  	v5 =	vadd.s32 v2, v5;
	[tilespmem:s23+$0x2E0] =	vst v4  }
0x87: {  	[tilespmem:s23+$0x2A0] =	vst v5  }
0x88: {  	_ =	swait.ge [sflag:s29], $0x4000  }
0x89: {  	[sflag:s29] =	ssyncset.done $0x0  }
0x8a: {  	s13 =	sadd.s32 $0xFFFFF000, s7;
	[sflag:s29] =	ssyncadd.s32 $0xFFFFC000  }
0x8b: {  	[hbm4b:s13+s3] =	stream.linear.scatter [tilespmem:s20], [sflag:$0x6], $0x4000, $0x38;
	[tilespmem:$0x16C00] =	vst v63  }
0x8c: {  	_ =	swait.ge [sflag:s30], $0x4000  }
0x8d: {  	[sflag:s30] =	ssyncset.done $0x0  }
0x8e: {  	s14 =	simm.s32 $0x280;
	[sflag:s30] =	ssyncadd.s32 $0xFFFFC000  }
0x8f: {  	[tilespmem:s20], [sflag:$0x2] =	stream.indirect.gather [spmem:s2], $0x80, s14, s18, $0xb8;
	[tilespmem:$0x16C00] =	vst v63  }
0x90: {  	v7 =	vld [tilespmem:s23+$0x340]  }
0x91: {  	v5 =	vld [tilespmem:s23+$0x350]  }
0x92: {  	v8 =	vld [tilespmem:s23+$0x370]  }
0x93: {  	v9 =	vld [tilespmem:s23+$0x320]  }
0x94: {  	v10 =	vld [tilespmem:s23+$0x330]  }
0x95: {  	v4 =	vld [tilespmem:s23+$0x360]  }
0x96: {  	v6 =	vld [tilespmem:s23+$0x310];
	v11 =	vadd.s32 v1, v5  }
0x97: {  	v5 =	vld [tilespmem:s23+$0x300];
	v7 =	vadd.s32 v0, v7;
	[tilespmem:s23+$0x350] =	vst v11  }
0x98: {  	s4 =	smov.u32 s7;
	v9 =	vadd.s32 v2, v9;
	[tilespmem:s23+$0x340] =	vst v7  }
0x99: {  	s5 =	simm.s32 $0x800;
	s13 =	smov.u32 s6;
	s14 =	smov.u32 s7;
	v7 =	vadd.s32 v3, v8;
	[tilespmem:s23+$0x320] =	vst v9;
	v8 =	vadd.s32 v3, v10  }
.LBB2_2:
0x9a: {  	p0 =	sne.s32 s5, $0x18000;
	[tilespmem:s23+$0x370] =	vst v7;
	s13 =	sadd.s32 $0x2000, s13;
	s4 =	sadd.s32 $0x2000, s4  }
0x9b: {  	v4 =	vadd.s32 v2, v4;
	s8 =	smov.u32 s5;
	s5 =	sadd.s32 $0x800, s5;
	v6 =	vadd.s32 v1, v6;
	[tilespmem:s23+$0x330] =	vst v8  }
0x9c: {  	v5 =	vadd.s32 v0, v5;
	[tilespmem:s23+$0x310] =	vst v6  }
0x9d: {  	[tilespmem:s23+$0x300] =	vst v5  }
0x9e: {  	[tilespmem:s23+$0x360] =	vst v4  }
0x9f: {  	_ =	swait.ge [sflag:s31], $0x4000  }
0xa0: {  	[sflag:s31] =	ssyncset.done $0x0  }
0xa1: {  	s9 =	sadd.s32 $0xFFFFF800, s14;
	[sflag:s31] =	ssyncadd.s32 $0xFFFFC000  }
0xa2: {  	[hbm4b:s9+s3] =	stream.linear.scatter [tilespmem:s22], [sflag:$0x7], $0x4000, $0x38;
	[tilespmem:$0x16C00] =	vst v63  }
0xa3: {  	_ =	swait.ge [sflag:s1], $0x4000  }
0xa4: {  	[sflag:s1] =	ssyncset.done $0x0  }
0xa5: {  	s9 =	sadd.s32 $0x300, s23;
	[sflag:s1] =	ssyncadd.s32 $0xFFFFC000  }
0xa6: {  	[tilespmem:s22], [sflag:$0x3] =	stream.indirect.gather [spmem:s2], $0x80, s9, s18, $0xb8;
	[tilespmem:$0x16C00] =	vst v63  }
0xa7: {  	v4 =	vld [tilespmem:s23+$0x380]  }
0xa8: {  	v5 =	vld [tilespmem:s23+$0x390]  }
0xa9: {  	v6 =	vld [tilespmem:s23+$0x3A0]  }
0xaa: {  	v7 =	vld [tilespmem:s23+$0x3C0]  }
0xab: {  	v8 =	vld [tilespmem:s23+$0x3E0]  }
0xac: {  	v4 =	vadd.s32 v0, v4;
	v9 =	vld [tilespmem:s23+$0x3D0]  }
0xad: {  	[tilespmem:s23+$0x380] =	vst v4;
	v4 =	vadd.s32 v1, v5;
	v5 =	vld [tilespmem:s23+$0x3F0]  }
0xae: {  	[tilespmem:s23+$0x390] =	vst v4;
	v4 =	vadd.s32 v2, v6;
	v6 =	vld [tilespmem:s23+$0x3B0]  }
0xaf: {  	[tilespmem:s23+$0x3A0] =	vst v4;
	v4 =	vadd.s32 v0, v7  }
0xb0: {  	[tilespmem:s23+$0x3C0] =	vst v4;
	v4 =	vadd.s32 v2, v8  }
0xb1: {  	v7 =	vadd.s32 v1, v9  }
0xb2: {  	[tilespmem:s23+$0x3E0] =	vst v4;
	v4 =	vadd.s32 v3, v5  }
0xb3: {  	v5 =	vadd.s32 v3, v6;
	[tilespmem:s23+$0x3F0] =	vst v4  }
0xb4: {  	[tilespmem:s23+$0x3D0] =	vst v7  }
0xb5: {  	[tilespmem:s23+$0x3B0] =	vst v5  }
0xb6: {  	_ =	swait.ge [sflag:s0], $0x4000  }
0xb7: {  	[sflag:s0] =	ssyncset.done $0x0  }
0xb8: {  	[sflag:s0] =	ssyncadd.s32 $0xFFFFC000  }
0xb9: {  	[hbm4b:s14+s3] =	stream.linear.scatter [tilespmem:s24], [sflag:$0x8], $0x4000, $0x38;
	[tilespmem:$0x16C00] =	vst v63  }
0xba: {  	s14 =	smov.u32 s4;
	_ =	swait.ge [sflag:s17], $0x4000  }
0xbb: {  	[sflag:s17] =	ssyncset.done $0x0  }
0xbc: {  	s9 =	sadd.s32 $0x380, s23;
	[sflag:s17] =	ssyncadd.s32 $0xFFFFC000  }
0xbd: {  	[tilespmem:s24], [sflag:$0x4] =	stream.indirect.gather [spmem:s2], $0x80, s9, s18, $0xb8;
	[tilespmem:$0x16C00] =	vst v63  }
0xbe: {  	s23 =	sshra.s32 s8, $0x2  }
0xbf: {  	v4 =	vld [tilespmem:s23+$0x210]  }
0xc0: {  	v5 =	vld [tilespmem:s23+$0x220]  }
0xc1: {  	v6 =	vld [tilespmem:s23+$0x240]  }
0xc2: {  	v7 =	vld [tilespmem:s23+$0x200]  }
0xc3: {  	v8 =	vld [tilespmem:s23+$0x230]  }
0xc4: {  	v9 =	vld [tilespmem:s23+$0x270]  }
0xc5: {  	v5 =	vadd.s32 v2, v5;
	v10 =	vld [tilespmem:s23+$0x260]  }
0xc6: {  	v4 =	vadd.s32 v1, v4;
	[tilespmem:s23+$0x220] =	vst v5;
	v5 =	vadd.s32 v0, v6;
	v6 =	vld [tilespmem:s23+$0x250]  }
0xc7: {  	v7 =	vadd.s32 v0, v7;
	[tilespmem:s23+$0x240] =	vst v5  }
0xc8: {  	[tilespmem:s23+$0x210] =	vst v4;
	v4 =	vadd.s32 v3, v8  }
0xc9: {  	[tilespmem:s23+$0x230] =	vst v4;
	v4 =	vadd.s32 v3, v9  }
0xca: {  	v5 =	vadd.s32 v2, v10;
	[tilespmem:s23+$0x270] =	vst v4  }
0xcb: {  	v4 =	vadd.s32 v1, v6;
	[tilespmem:s23+$0x260] =	vst v5  }
0xcc: {  	[tilespmem:s23+$0x250] =	vst v4  }
0xcd: {  	[tilespmem:s23+$0x200] =	vst v7  }
0xce: {  	_ =	swait.ge [sflag:s26], $0x4000  }
0xcf: {  	[sflag:s26] =	ssyncset.done $0x0  }
0xd0: {  	[sflag:s26] =	ssyncadd.s32 $0xFFFFC000  }
0xd1: {  	[hbm4b:s13+s3] =	stream.linear.scatter [tilespmem:s19], [sflag:$0x5], $0x4000, $0x38;
	[tilespmem:$0x16C00] =	vst v63  }
0xd2: {  	_ =	swait.ge [sflag:s28], $0x4000  }
0xd3: {  	[sflag:s28] =	ssyncset.done $0x0  }
0xd4: {  	s8 =	sadd.s32 $0x200, s23;
	[sflag:s28] =	ssyncadd.s32 $0xFFFFC000  }
0xd5: {  	[tilespmem:s19], [sflag:$0x1] =	stream.indirect.gather [spmem:s2], $0x80, s8, s18, $0xb8;
	[tilespmem:$0x16C00] =	vst v63  }
0xd6: {  	v4 =	vld [tilespmem:s23+$0x2F0]  }
0xd7: {  	v5 =	vld [tilespmem:s23+$0x290]  }
0xd8: {  	v6 =	vld [tilespmem:s23+$0x280]  }
0xd9: {  	v7 =	vld [tilespmem:s23+$0x2B0]  }
0xda: {  	v8 =	vld [tilespmem:s23+$0x2C0]  }
0xdb: {  	v9 =	vld [tilespmem:s23+$0x2D0];
	v4 =	vadd.s32 v3, v4  }
0xdc: {  	v5 =	vadd.s32 v1, v5;
	v10 =	vld [tilespmem:s23+$0x2E0];
	[tilespmem:s23+$0x2F0] =	vst v4  }
0xdd: {  	v4 =	vadd.s32 v0, v6;
	[tilespmem:s23+$0x290] =	vst v5;
	v5 =	vld [tilespmem:s23+$0x2A0]  }
0xde: {  	[tilespmem:s23+$0x280] =	vst v4;
	v4 =	vadd.s32 v3, v7  }
0xdf: {  	[tilespmem:s23+$0x2B0] =	vst v4;
	v4 =	vadd.s32 v0, v8  }
0xe0: {  	[tilespmem:s23+$0x2C0] =	vst v4;
	v4 =	vadd.s32 v1, v9  }
0xe1: {  	[tilespmem:s23+$0x2D0] =	vst v4;
	v4 =	vadd.s32 v2, v10  }
0xe2: {  	v5 =	vadd.s32 v2, v5;
	[tilespmem:s23+$0x2E0] =	vst v4  }
0xe3: {  	[tilespmem:s23+$0x2A0] =	vst v5  }
0xe4: {  	_ =	swait.ge [sflag:s29], $0x4000  }
0xe5: {  	[sflag:s29] =	ssyncset.done $0x0  }
0xe6: {  	s8 =	sadd.s32 $0xFFFFF000, s4;
	[sflag:s29] =	ssyncadd.s32 $0xFFFFC000  }
0xe7: {  	[hbm4b:s8+s3] =	stream.linear.scatter [tilespmem:s20], [sflag:$0x6], $0x4000, $0x38;
	[tilespmem:$0x16C00] =	vst v63  }
0xe8: {  	_ =	swait.ge [sflag:s30], $0x4000  }
0xe9: {  	[sflag:s30] =	ssyncset.done $0x0  }
0xea: {  	s8 =	sadd.s32 $0x280, s23;
	[sflag:s30] =	ssyncadd.s32 $0xFFFFC000  }
0xeb: {  	[tilespmem:s20], [sflag:$0x2] =	stream.indirect.gather [spmem:s2], $0x80, s8, s18, $0xb8;
	[tilespmem:$0x16C00] =	vst v63  }
0xec: {  	v7 =	vld [tilespmem:s23+$0x340]  }
0xed: {  	v5 =	vld [tilespmem:s23+$0x350]  }
0xee: {  	v8 =	vld [tilespmem:s23+$0x370]  }
0xef: {  	v9 =	vld [tilespmem:s23+$0x320]  }
0xf0: {  	v10 =	vld [tilespmem:s23+$0x330]  }
.Ltmp0:
0xf1: {  	v4 =	vld [tilespmem:s23+$0x360];
	(pc) =	sbr.rel @p0 .LBB2_2-.Ltmp0, $4  }
0xf2: {  	v6 =	vld [tilespmem:s23+$0x310];
	v11 =	vadd.s32 v1, v5  }
0xf3: {  	v12 =	vadd.s32 v0, v7;
	v5 =	vld [tilespmem:s23+$0x300];
	[tilespmem:s23+$0x350] =	vst v11;
	v7 =	vadd.s32 v3, v8  }
0xf4: {  	v8 =	vadd.s32 v2, v9;
	[tilespmem:s23+$0x340] =	vst v12  }
0xf5: {  	[tilespmem:s23+$0x320] =	vst v8;
	v8 =	vadd.s32 v3, v10  }
0xf6: {  	[tilespmem:s23+$0x370] =	vst v7  }
0xf7: {  	[tilespmem:s23+$0x330] =	vst v8;
	v4 =	vadd.s32 v2, v4  }
0xf8: {  	v6 =	vadd.s32 v1, v6;
	[tilespmem:s23+$0x360] =	vst v4  }
0xf9: {  	v5 =	vadd.s32 v0, v5;
	[tilespmem:s23+$0x310] =	vst v6  }
0xfa: {  	[tilespmem:s23+$0x300] =	vst v5  }
0xfb: {  	_ =	swait.ge [sflag:s31], $0x4000  }
0xfc: {  	[sflag:s31] =	ssyncset.done $0x0  }
0xfd: {  	s4 =	sadd.s32 $0xFFFFF800, s14;
	[sflag:s31] =	ssyncadd.s32 $0xFFFFC000  }
0xfe: {  	[hbm4b:s4+s3] =	stream.linear.scatter [tilespmem:s22], [sflag:$0x7], $0x4000, $0x38;
	[tilespmem:$0x16C00] =	vst v63  }
0xff: {  	_ =	swait.ge [sflag:s1], $0x4000  }
0x100: {  	[sflag:s1] =	ssyncset.done $0x0  }
0x101: {  	s9 =	sadd.s32 $0x300, s23;
	[sflag:s1] =	ssyncadd.s32 $0xFFFFC000  }
0x102: {  	[tilespmem:s22], [sflag:$0x3] =	stream.indirect.gather [spmem:s2], $0x80, s9, s18, $0xb8;
	[tilespmem:$0x16C00] =	vst v63  }
0x103: {  	v4 =	vld [tilespmem:s23+$0x380]  }
0x104: {  	v5 =	vld [tilespmem:s23+$0x390];
	_ =	sdelay $0x1  }
0x105: {  	v60 =	vld [tilespmem:s23+$0x3A0]  }
0x106: {  	v61 =	vld [tilespmem:s23+$0x3C0]  }
0x107: {  	v62 =	vld [tilespmem:s23+$0x3E0];
	v4 =	vadd.s32 v0, v4  }
0x108: {  	[tilespmem:s23+$0x380] =	vst v4;
	v4 =	vadd.s32 v1, v5;
	v5 =	vld [tilespmem:s23+$0x3F0]  }
0x109: {  	v9 =	vld [tilespmem:s23+$0x3D0]  }
0x10a: {  	v63 =	vld [tilespmem:s23+$0x3B0];
	[tilespmem:s23+$0x390] =	vst v4;
	v4 =	vadd.s32 v2, v60  }
0x10b: {  	[tilespmem:s23+$0x3A0] =	vst v4;
	v4 =	vadd.s32 v0, v61  }
0x10c: {  	[tilespmem:s23+$0x3C0] =	vst v4;
	v4 =	vadd.s32 v2, v62  }
0x10d: {  	[tilespmem:s23+$0x3E0] =	vst v4;
	v4 =	vadd.s32 v3, v5  }
0x10e: {  	v5 =	vadd.s32 v1, v9;
	[tilespmem:s23+$0x3F0] =	vst v4  }
0x10f: {  	v4 =	vadd.s32 v3, v63;
	[tilespmem:s23+$0x3D0] =	vst v5  }
0x110: {  	[tilespmem:s23+$0x3B0] =	vst v4  }
0x111: {  	_ =	swait.ge [sflag:s0], $0x4000  }
0x112: {  	[sflag:s0] =	ssyncset.done $0x0  }
0x113: {  	[sflag:s0] =	ssyncadd.s32 $0xFFFFC000  }
0x114: {  	[hbm4b:s14+s3] =	stream.linear.scatter [tilespmem:s24], [sflag:$0x8], $0x4000, $0x38;
	[tilespmem:$0x16C00] =	vst v63  }
0x115: {  	_ =	swait.ge [sflag:s17], $0x4000  }
0x116: {  	[sflag:s17] =	ssyncset.done $0x0  }
0x117: {  	s13 =	sadd.s32 $0x380, s23;
	[sflag:s17] =	ssyncadd.s32 $0xFFFFC000  }
0x118: {  	[tilespmem:s24], [sflag:$0x4] =	stream.indirect.gather [spmem:s2], $0x80, s13, s18, $0xb8;
	[tilespmem:$0x16C00] =	vst v63  }
0x119: {  	_ =	swait.ge [sflag:s26], $0x4000  }
0x11a: {  	[sflag:s26] =	ssyncset.done $0x0  }
0x11b: {  	s14 =	rddreg [dreg:$0x8];
	[sflag:s26] =	ssyncadd.s32 $0xFFFFC000  }
0x11c: {  	[hbm4b:s14+s3] =	stream.linear.scatter [tilespmem:s19], [sflag:$0x5], $0x4000, $0x38;
	[tilespmem:$0x16C00] =	vst v63  }
0x11d: {  	_ =	swait.ge [sflag:s28], $0x4000  }
0x11e: {  	[sflag:s28] =	ssyncset.done $0x0  }
0x11f: {  	[sflag:s28] =	ssyncadd.s32 $0xFFFFC000  }
0x120: {  	_ =	swait.ge [sflag:s29], $0x4000  }
0x121: {  	[sflag:s29] =	ssyncset.done $0x0  }
0x122: {  	s23 =	rddreg [dreg:$0x9];
	[sflag:s29] =	ssyncadd.s32 $0xFFFFC000  }
0x123: {  	[hbm4b:s23+s3] =	stream.linear.scatter [tilespmem:s20], [sflag:$0x6], $0x4000, $0x38;
	[tilespmem:$0x16C00] =	vst v63  }
0x124: {  	_ =	swait.ge [sflag:s30], $0x4000  }
0x125: {  	[sflag:s30] =	ssyncset.done $0x0  }
0x126: {  	[sflag:s30] =	ssyncadd.s32 $0xFFFFC000  }
0x127: {  	_ =	swait.ge [sflag:s31], $0x4000  }
0x128: {  	[sflag:s31] =	ssyncset.done $0x0  }
0x129: {  	[sflag:s31] =	ssyncadd.s32 $0xFFFFC000  }
0x12a: {  	[hbm4b:s10+s3] =	stream.linear.scatter [tilespmem:s22], [sflag:$0x7], $0x4000, $0x38;
	[tilespmem:$0x16C00] =	vst v63  }
0x12b: {  	_ =	swait.ge [sflag:s1], $0x4000  }
0x12c: {  	[sflag:s1] =	ssyncset.done $0x0  }
0x12d: {  	[sflag:s1] =	ssyncadd.s32 $0xFFFFC000  }
0x12e: {  	s21 =	sadd.s32 $0x1, s21;
	_ =	swait.ge [sflag:s0], $0x4000  }
0x12f: {  	p0 =	sne.s32 s21, s12;
	[sflag:s0] =	ssyncset.done $0x0  }
.Ltmp1:
0x130: {  	[sflag:s0] =	ssyncadd.s32 $0xFFFFC000;
	(pc) =	sbr.rel @p0 .LBB2_1-.Ltmp1, $4  }
0x131: {  	[hbm4b:s11+s3] =	stream.linear.scatter [tilespmem:s24], [sflag:$0x8], $0x4000, $0x38;
	[tilespmem:$0x16C00] =	vst v63  }
0x132: {  	_ =	swait.ge [sflag:s17], $0x4000  }
0x133: {  	[sflag:s17] =	ssyncset.done $0x0  }
0x134: {  	[sflag:s17] =	ssyncadd.s32 $0xFFFFC000  }
0x135: {  	_ =	sfence.sel $0x180000  }
0x136: {  	[bflag:$0x0] =	sbarrier.arrive $0xFFFF  }
0x137: {  	_ =	strace $0x90000047  }
0x138: {  	s0 =	stileid.u32;
	[bflag:$0x2] =	sbarrier.arrive $0xFFFF  }
0x139: {  	p0 =	sne.s32 s0, $0x0;
	s0 =	rddreg [dreg:$0x3]  }
0x13a: {  	s0 =	sadd.s32 @!p0 $0x100000, s0  }
0x13b: {  	[sflag:s0] =	ssyncadd.tile.s32 @!p0 $0x1;
	_ =	shalt  }
.Lfunc_end2:
_tile_overlayer_lowered:
.L_overlay_start_2:
0x13c: {  	(tag) =	ssettag $0x2  }
0x13d: {  	s0 =	rddreg [dreg:$0x0];
	s2 =	stileid.u32  }
0x13e: {  	s1 =	rddreg [dreg:$0x1];
	p0 =	sne.s32 s2, $0x0  }
0x13f: {  	s3 =	rddreg [dreg:$0x2];
	[bflag:$0x3] =	sbarrier.arrive $0xFFFF;
	s2 =	simm.s32 @!p0 $0x1C0A  }
0x140: {  	[timem:s3], [sflag:s2] =	dma.local @!p0 [hbm:s0], s1  }
0x141: {  	s0 =	simm.s32 @!p0 $0xA  }
0x142: {  	_ =	swait.ge @!p0 [sflag:s0], s1  }
0x143: {  	s1 =	ssub.s32 @!p0 $0x0, s1;
	[sflag:s0] =	ssyncset.done @!p0 $0x0  }
0x144: {  	[sflag:s0] =	ssyncadd.s32 @!p0 s1  }
0x145: {  	[bflag:$0x3] =	sbarrier.arrive $0xFFFF  }
0x146: {  	_ =	shalt  }

</sc_bundles>
